<compile_context>
chip_gen: v7x
topology: tpu7x:2x2x1
jax: 0.10.2.dev20260603
libtpu: 0.0.44.dev20260713+nightly
codegen_flags: <defaults>
</compile_context>

<pallas_src>
import jax
import jax.numpy as jnp
from jax import lax
from jax.experimental import pallas as pl
from jax.experimental.pallas import tpu as pltpu
from jax.experimental.pallas import tpu_sc as plsc

N = 10000
NP = 10240
E = 640000
K = 256
ALPHA = 0.15
RHO = 0.0001
NUM_STEPS = 16
THR = ALPHA * RHO

NC = 2
NS = 16
L = 16
NR = NP // 128
RPT = NR // NS
NVR = NP // L
EPT = E // NS


def _hist_rank_select(hist, rank):

    def body(j, carry):
        cum, nb, ca = carry
        v = hist[pl.ds(j * L, L)]
        cs = plsc.cumsum(v) + cum
        lt = cs < rank
        nb = nb + plsc.all_reduce_population_count(lt)
        ca = ca + jnp.sum(jnp.where(lt, v, 0))
        return jnp.max(cs), nb, ca

    zero = jnp.int32(0)
    _, nb, ca = lax.fori_loop(0, 16, body,
                              (zero, jnp.zeros((L,), jnp.int32), zero))
    return 255 - nb, rank - ca


def _sc_body(pack_h, data_h, s_h, start_h, zeros_h, qout_h,
             pbuf, abuf, qtab, acc, xful, cbuf, idxb, sbuf, hist,
             xacc, zsem):
    c = lax.axis_index("c")
    w = lax.axis_index("s")
    zeros16i = jnp.zeros((L,), jnp.int32)
    ones16i = jnp.ones((L,), jnp.int32)
    lanes = lax.broadcasted_iota(jnp.int32, (L,), 0)

    pltpu.sync_copy(pack_h.at[pl.ds(w * EPT, EPT)], pbuf)
    pltpu.sync_copy(data_h.at[pl.ds(w * EPT, EPT)], abuf)
    pltpu.sync_copy(s_h, qtab)
    pltpu.sync_copy(start_h, sbuf)
    pltpu.async_copy(zeros_h, acc, zsem)

    for k in range(NR // L):
        idxb[pl.ds(k * L, L)] = k * L + lanes

    @pl.when(w < 10)
    def _():
        for par in range(2):
            pltpu.sync_copy(zeros_h.at[pl.ds(w * 8, 8), :],
                            xacc.at[par, pl.ds(w * 8, 8), :])
    plsc.subcore_barrier()

    def _mbits(x):
        return jnp.bitwise_and(lax.bitcast_convert_type(x, jnp.int32),
                               jnp.int32(0x7FFFFFFF))

    def step(si, carry):
        p = jnp.bitwise_and(si, 1)
        pltpu.make_async_copy(zeros_h, acc, zsem).wait()

        @plsc.parallel_loop(0, EPT // L, 1, unroll=16)
        def _(i):
            sl = pl.ds(i * L, L)
            pv = pbuf[sl]
            av = abuf[sl]
            sv = jnp.bitwise_and(pv, jnp.int32(0x3FFF))
            dv = lax.shift_right_logical(pv, 14)
            qv = plsc.load_gather(qtab, [sv])
            plsc.addupdate_scatter(
                acc, [lax.shift_right_logical(dv, 7),
                      jnp.bitwise_and(dv, jnp.int32(127))], av * qv)

        plsc.subcore_barrier()

        @pl.when(w < 10)
        def _():
            pltpu.sync_copy(zeros_h.at[pl.ds(w * 8, 8), :],
                            xacc.at[1 - p, pl.ds(w * 8, 8), :])

        pltpu.sync_copy(acc, xacc.at[p].at[idxb], add=True)
        plsc.subcore_barrier()

        pltpu.sync_copy(xacc.at[p], xful)
        pltpu.async_copy(zeros_h, acc, zsem)

        def hz(i, _):
            hist[pl.ds(i * L, L)] = zeros16i
            return 0
        lax.fori_loop(0, 256 // L, hz, 0)

        startv = sbuf[pl.ds(0, L)]

        @plsc.parallel_loop(0, NVR, 1, unroll=4)
        def _(i):
            raw = xful[i // 8, pl.ds((i % 8) * L, L)]
            sval = jnp.where(i * L + lanes == startv, ALPHA, 0.0)
            xv = (1.0 - ALPHA) * raw - sval
            xful[i // 8, pl.ds((i % 8) * L, L)] = xv
            b = 255 - lax.shift_right_logical(_mbits(xv), 23)
            plsc.addupdate_scatter(hist, [b], ones16i)

        b1, r1 = _hist_rank_select(hist, jnp.full((L,), K, jnp.int32))

        def radix_rest():
            @plsc.parallel_loop(0, NVR, 1, unroll=4,
                                carry=jnp.zeros((L,), jnp.int32))
            def cnt_v(i, off):
                m = _mbits(xful[i // 8, pl.ds((i % 8) * L, L)])
                keep = lax.shift_right_logical(m, 23) == b1
                ki = keep.astype(jnp.int32)
                cs = plsc.cumsum(ki)
                plsc.store_scatter(cbuf, [off + cs - ki], m, mask=keep)
                return off + plsc.all_reduce_population_count(keep)

            nv = jnp.max((cnt_v + (L - 1)) // L)

            def rpass(pref, pref_shift, buck_shift, buck_mask, rank):
                def hz2(i, _):
                    hist[pl.ds(i * L, L)] = zeros16i
                    return 0
                lax.fori_loop(0, 256 // L, hz2, 0)

                def pb(i, _):
                    m = cbuf[pl.ds(i * L, L)]
                    keep = jnp.logical_and(
                        lanes < cnt_v - i * L,
                        lax.shift_right_logical(m, pref_shift) == pref)
                    b = 255 - jnp.bitwise_and(
                        lax.shift_right_logical(m, buck_shift),
                        jnp.int32(buck_mask))
                    plsc.addupdate_scatter(hist, [b], ones16i, mask=keep)
                    return 0
                lax.fori_loop(0, nv, pb, 0)
                return _hist_rank_select(hist, rank)

            b2, r2 = rpass(b1, 23, 15, 0xFF, r1)
            p2 = b1 * 256 + b2
            b3, r3 = rpass(p2, 15, 7, 0xFF, r2)
            p3 = p2 * 256 + b3
            b4, _ = rpass(p3, 7, 0, 0x7F, r3)
            return p3 * 128 + b4

        t = lax.cond(jnp.max(b1) > 0, radix_rest,
                     lambda: jnp.ones((L,), jnp.int32))

        @plsc.parallel_loop(0, NVR, 1, unroll=4)
        def _(i):
            x = xful[i // 8, pl.ds((i % 8) * L, L)]
            val = jnp.sign(x) * jnp.maximum(jnp.abs(x) - THR, 0.0)
            qtab[pl.ds(i * L, L)] = jnp.where(_mbits(x) >= t, val, 0.0)

        return carry

    lax.fori_loop(0, NUM_STEPS, step, 0)
    pltpu.make_async_copy(zeros_h, acc, zsem).wait()

    @pl.when(c == 0)
    def _():
        pltpu.sync_copy(qtab.at[pl.ds(w * (NP // NS), NP // NS)],
                        qout_h.at[pl.ds(w * (NP // NS), NP // NS)])


@jax.jit
def _run(packed, data, svec, startv, zvec):
    mesh = plsc.VectorSubcoreMesh(core_axis_name="c", subcore_axis_name="s",
                                  num_cores=NC, num_subcores=NS)
    f = pl.kernel(
        _sc_body,
        out_type=[
            jax.ShapeDtypeStruct((NP,), jnp.float32),
        ],
        mesh=mesh,
        compiler_params=pltpu.CompilerParams(needs_layout_passes=False),
        scratch_types=[
            pltpu.VMEM((EPT,), jnp.int32),
            pltpu.VMEM((EPT,), jnp.float32),
            pltpu.VMEM((NP,), jnp.float32),
            pltpu.VMEM((NR, 128), jnp.float32),
            pltpu.VMEM((NR, 128), jnp.float32),
            pltpu.VMEM((NP + L,), jnp.int32),
            pltpu.VMEM((NR,), jnp.int32),
            pltpu.VMEM((L,), jnp.int32),
            pltpu.VMEM((256,), jnp.int32),
            pltpu.VMEM_SHARED((2, NR, 128), jnp.float32),
            pltpu.SemaphoreType.DMA,
        ],
    )
    q, = f(packed, data, svec, startv, zvec)
    return q[:N]


def kernel(adj_data, adj_indices, start_node_id):
    src = adj_indices[:, 0].astype(jnp.int32)
    dst = adj_indices[:, 1].astype(jnp.int32)
    packed = jnp.bitwise_or(src, jnp.left_shift(dst, 14))
    svec = jnp.zeros((NP,), jnp.float32).at[start_node_id].set(1.0)
    startv = jnp.full((L,), start_node_id, jnp.int32)
    zvec = jnp.zeros((NR, 128), jnp.float32)
    return _run(packed, adj_data.astype(jnp.float32), svec, startv, zvec)

# --- scband reference (transcript-rebuilt; emitter-appended) ---
"""Pipeline reference for scband-sparse-istaextractor-58188216926848 (READ-ONLY COPY).

The authoritative reference and input builder live on the scoring server;
editing this copy changes nothing except your own understanding.
"""

import jax, jax.numpy as jnp
import numpy as np

N = 10000          # max_graph_size
E = 640000         # nnz of sparse adjacency (n_nodes * avg_degree)
K = 256            # max_subgraph_size (top-k nse cap)
ALPHA = 0.15
RHO = 0.0001
NUM_STEPS = 16


def _softthresh(x, alpha, rho):
    return jnp.sign(x) * jnp.maximum(jnp.abs(x) - alpha * rho, 0.0)


def _abs_top_k_mask(q, k):
    # keep only the top-k entries of q by magnitude (fixed-nse sparsification)
    _, idx = jax.lax.top_k(jnp.abs(q), k)
    mask = jnp.zeros_like(q).at[idx].set(1.0)
    return q * mask


def setup_inputs(seed: int = 0) -> dict:
    key = jax.random.key(seed)
    k1, k2, k3 = jax.random.split(key, 3)
    # adjacency values ~ row-stochastic scale (avg_degree=64)
    adj_data = jax.random.uniform(k1, (E,), dtype=jnp.float32) / 64.0
    src = jax.random.randint(k2, (E,), 0, N)
    dst = jax.random.randint(k3, (E,), 0, N)
    adj_indices = jnp.stack([src, dst], axis=1).astype(jnp.int64)
    return {"adj_data": adj_data, "adj_indices": adj_indices, "start_node_id": 123}


def reference(adj_data, adj_indices, start_node_id):
    src = adj_indices[:, 0]
    dst = adj_indices[:, 1]
    # _s: one-hot encoding of the start node (sparse vector with nse=K, only slot 0 used)
    s = jnp.zeros((N,), dtype=jnp.float32).at[start_node_id].set(1.0)

    def ista_step(q, _):
        # (A.T @ q): sparse matvec via gather + segment-sum (SpMV on BCOO data/indices)
        atq = jax.ops.segment_sum(adj_data * jnp.take(q, src), dst, num_segments=N)
        # _q_minus_grad with _sum_with_nse: fixed-nse top-k sparsification of the sum
        q_minus_grad = _abs_top_k_mask((1.0 - ALPHA) * atq - ALPHA * s, K)
        # _sparse_softthresh on the retained entries
        q_new = _softthresh(q_minus_grad, ALPHA, RHO)
        return q_new, None

    q, _ = jax.lax.scan(ista_step, s, None, length=NUM_STEPS)
    # final fixed-nse thresholding: keep top max_subgraph_size weights
    q = _abs_top_k_mask(q, K)
    return q

if __name__ == "__main__":
    import jax
    _d = setup_inputs()
    print(jax.jit(kernel)(*tuple(_d.values())))

</pallas_src>

<mosaic_0001>
#map = affine_map<(d0, d1) -> (0)>
#map1 = affine_map<(d0, d1) -> (0, 0)>
module attributes {stable_mosaic.version = 14 : i64} {
  func.func @_sc_body(%arg0: i32, %arg1: i32, %arg2: memref<640000xi32, #tpu.memory_space<hbm>>, %arg3: memref<640000xf32, #tpu.memory_space<hbm>>, %arg4: memref<10240xf32, #tpu.memory_space<hbm>>, %arg5: memref<16xi32, #tpu.memory_space<hbm>>, %arg6: memref<80x128xf32, #tpu.memory_space<hbm>>, %arg7: memref<10240xf32, #tpu.memory_space<hbm>>, %arg8: memref<40000xi32, #tpu.memory_space<vmem>>, %arg9: memref<40000xf32, #tpu.memory_space<vmem>>, %arg10: memref<10240xf32, #tpu.memory_space<vmem>>, %arg11: memref<80x128xf32, #tpu.memory_space<vmem>>, %arg12: memref<80x128xf32, #tpu.memory_space<vmem>>, %arg13: memref<10256xi32, #tpu.memory_space<vmem>>, %arg14: memref<80xi32, #tpu.memory_space<vmem>>, %arg15: memref<16xi32, #tpu.memory_space<vmem>>, %arg16: memref<256xi32, #tpu.memory_space<vmem>>, %arg17: memref<2x80x128xf32, #tpu.memory_space<vmem_shared>>, %arg18: memref<!tpu.dma_semaphore, #tpu.memory_space<semaphore_mem>>) attributes {dimension_semantics = [#tpu.dimension_semantics<core_parallel>, #tpu.dimension_semantics<subcore_parallel>], iteration_bounds = array<i64: 2, 16>, scalar_prefetch = 0 : i64, scratch_operands = 11 : i64, tpu.core_type = #tpu.core_type<sc_vector_subcore>, window_params = [{transform_indices = #map}, {transform_indices = #map}, {transform_indices = #map}, {transform_indices = #map}, {transform_indices = #map1}, {transform_indices = #map}]} {
    %broadcast_in_dim3A = arith.constant 0 : i32
    %broadcast_in_dim3A_0 = vector.broadcast %broadcast_in_dim3A : i32 to vector<16xi32>
    %broadcast_in_dim3A_1 = arith.constant 1 : i32
    %broadcast_in_dim3A_2 = vector.broadcast %broadcast_in_dim3A_1 : i32 to vector<16xi32>
    %iota3A = tpu.iota {dimensions = array<i32: 0>} : vector<16xi32>
    %mul3A = arith.constant 40000 : i32
    %mul3A_3 = arith.muli %arg1, %mul3A : i32
    "tpu.region"() ({
      %run_scoped3A = tpu.sem_alloc : memref<!tpu.dma_semaphore, #tpu.memory_space<semaphore_mem>>
      %dma_start3A = tpu.memref_slice %arg2[%mul3A_3] : memref<640000xi32, #tpu.memory_space<hbm>> -> memref<40000xi32, #tpu.memory_space<hbm>>
      %dma_start3A_40 = tpu.memref_slice %arg2[%mul3A_3] : memref<640000xi32, #tpu.memory_space<hbm>> -> memref<40000xi32, #tpu.memory_space<hbm>>
      tpu.enqueue_dma source(%dma_start3A_40 : memref<40000xi32, #tpu.memory_space<hbm>>) target(%arg8 : memref<40000xi32, #tpu.memory_space<vmem>>) target_semaphore(%run_scoped3A : memref<!tpu.dma_semaphore, #tpu.memory_space<semaphore_mem>>)
      %dma_wait3A = tpu.memref_slice %arg2[%mul3A_3] : memref<640000xi32, #tpu.memory_space<hbm>> -> memref<40000xi32, #tpu.memory_space<hbm>>
      %dma_wait3A_41 = tpu.memref_slice %arg2[%mul3A_3] : memref<640000xi32, #tpu.memory_space<hbm>> -> memref<40000xi32, #tpu.memory_space<hbm>>
      tpu.wait_dma2 semaphore(%run_scoped3A : memref<!tpu.dma_semaphore, #tpu.memory_space<semaphore_mem>>) src(%dma_wait3A_41 : memref<40000xi32, #tpu.memory_space<hbm>>) dst(%arg8 : memref<40000xi32, #tpu.memory_space<vmem>>)
      tpu.yield
    }) : () -> ()
    %mul3A_4 = arith.constant 40000 : i32
    %mul3A_5 = arith.muli %arg1, %mul3A_4 : i32
    "tpu.region"() ({
      %run_scoped3A = tpu.sem_alloc : memref<!tpu.dma_semaphore, #tpu.memory_space<semaphore_mem>>
      %dma_start3A = tpu.memref_slice %arg3[%mul3A_5] : memref<640000xf32, #tpu.memory_space<hbm>> -> memref<40000xf32, #tpu.memory_space<hbm>>
      %dma_start3A_40 = tpu.memref_slice %arg3[%mul3A_5] : memref<640000xf32, #tpu.memory_space<hbm>> -> memref<40000xf32, #tpu.memory_space<hbm>>
      tpu.enqueue_dma source(%dma_start3A_40 : memref<40000xf32, #tpu.memory_space<hbm>>) target(%arg9 : memref<40000xf32, #tpu.memory_space<vmem>>) target_semaphore(%run_scoped3A : memref<!tpu.dma_semaphore, #tpu.memory_space<semaphore_mem>>)
      %dma_wait3A = tpu.memref_slice %arg3[%mul3A_5] : memref<640000xf32, #tpu.memory_space<hbm>> -> memref<40000xf32, #tpu.memory_space<hbm>>
      %dma_wait3A_41 = tpu.memref_slice %arg3[%mul3A_5] : memref<640000xf32, #tpu.memory_space<hbm>> -> memref<40000xf32, #tpu.memory_space<hbm>>
      tpu.wait_dma2 semaphore(%run_scoped3A : memref<!tpu.dma_semaphore, #tpu.memory_space<semaphore_mem>>) src(%dma_wait3A_41 : memref<40000xf32, #tpu.memory_space<hbm>>) dst(%arg9 : memref<40000xf32, #tpu.memory_space<vmem>>)
      tpu.yield
    }) : () -> ()
    "tpu.region"() ({
      %run_scoped3A = tpu.sem_alloc : memref<!tpu.dma_semaphore, #tpu.memory_space<semaphore_mem>>
      tpu.enqueue_dma source(%arg4 : memref<10240xf32, #tpu.memory_space<hbm>>) target(%arg10 : memref<10240xf32, #tpu.memory_space<vmem>>) target_semaphore(%run_scoped3A : memref<!tpu.dma_semaphore, #tpu.memory_space<semaphore_mem>>)
      tpu.wait_dma2 semaphore(%run_scoped3A : memref<!tpu.dma_semaphore, #tpu.memory_space<semaphore_mem>>) src(%arg4 : memref<10240xf32, #tpu.memory_space<hbm>>) dst(%arg10 : memref<10240xf32, #tpu.memory_space<vmem>>)
      tpu.yield
    }) : () -> ()
    "tpu.region"() ({
      %run_scoped3A = tpu.sem_alloc : memref<!tpu.dma_semaphore, #tpu.memory_space<semaphore_mem>>
      tpu.enqueue_dma source(%arg5 : memref<16xi32, #tpu.memory_space<hbm>>) target(%arg15 : memref<16xi32, #tpu.memory_space<vmem>>) target_semaphore(%run_scoped3A : memref<!tpu.dma_semaphore, #tpu.memory_space<semaphore_mem>>)
      tpu.wait_dma2 semaphore(%run_scoped3A : memref<!tpu.dma_semaphore, #tpu.memory_space<semaphore_mem>>) src(%arg5 : memref<16xi32, #tpu.memory_space<hbm>>) dst(%arg15 : memref<16xi32, #tpu.memory_space<vmem>>)
      tpu.yield
    }) : () -> ()
    tpu.enqueue_dma source(%arg6 : memref<80x128xf32, #tpu.memory_space<hbm>>) target(%arg11 : memref<80x128xf32, #tpu.memory_space<vmem>>) target_semaphore(%arg18 : memref<!tpu.dma_semaphore, #tpu.memory_space<semaphore_mem>>)
    %add3A = arith.constant 0 : i32
    %add3A_6 = vector.broadcast %add3A : i32 to vector<16xi32>
    %add3A_7 = arith.addi %add3A_6, %iota3A : vector<16xi32>
    %swap3A = arith.constant 0 : index
    %swap3A_8 = tpu.vector_load %arg14[%swap3A] {strides = array<i32>} : memref<80xi32, #tpu.memory_space<vmem>>, vector<16xi32>,
    tpu.vector_store %arg14[%swap3A], %add3A_7 {strides = array<i32>} : memref<80xi32, #tpu.memory_space<vmem>>, vector<16xi32>,
    %add3A_9 = arith.constant 16 : i32
    %add3A_10 = vector.broadcast %add3A_9 : i32 to vector<16xi32>
    %add3A_11 = arith.addi %add3A_10, %iota3A : vector<16xi32>
    %swap3A_12 = arith.constant 16 : index
    %swap3A_13 = tpu.vector_load %arg14[%swap3A_12] {strides = array<i32>} : memref<80xi32, #tpu.memory_space<vmem>>, vector<16xi32>,
    tpu.vector_store %arg14[%swap3A_12], %add3A_11 {strides = array<i32>} : memref<80xi32, #tpu.memory_space<vmem>>, vector<16xi32>,
    %add3A_14 = arith.constant 32 : i32
    %add3A_15 = vector.broadcast %add3A_14 : i32 to vector<16xi32>
    %add3A_16 = arith.addi %add3A_15, %iota3A : vector<16xi32>
    %swap3A_17 = arith.constant 32 : index
    %swap3A_18 = tpu.vector_load %arg14[%swap3A_17] {strides = array<i32>} : memref<80xi32, #tpu.memory_space<vmem>>, vector<16xi32>,
    tpu.vector_store %arg14[%swap3A_17], %add3A_16 {strides = array<i32>} : memref<80xi32, #tpu.memory_space<vmem>>, vector<16xi32>,
    %add3A_19 = arith.constant 48 : i32
    %add3A_20 = vector.broadcast %add3A_19 : i32 to vector<16xi32>
    %add3A_21 = arith.addi %add3A_20, %iota3A : vector<16xi32>
    %swap3A_22 = arith.constant 48 : index
    %swap3A_23 = tpu.vector_load %arg14[%swap3A_22] {strides = array<i32>} : memref<80xi32, #tpu.memory_space<vmem>>, vector<16xi32>,
    tpu.vector_store %arg14[%swap3A_22], %add3A_21 {strides = array<i32>} : memref<80xi32, #tpu.memory_space<vmem>>, vector<16xi32>,
    %add3A_24 = arith.constant 64 : i32
    %add3A_25 = vector.broadcast %add3A_24 : i32 to vector<16xi32>
    %add3A_26 = arith.addi %add3A_25, %iota3A : vector<16xi32>
    %swap3A_27 = arith.constant 64 : index
    %swap3A_28 = tpu.vector_load %arg14[%swap3A_27] {strides = array<i32>} : memref<80xi32, #tpu.memory_space<vmem>>, vector<16xi32>,
    tpu.vector_store %arg14[%swap3A_27], %add3A_26 {strides = array<i32>} : memref<80xi32, #tpu.memory_space<vmem>>, vector<16xi32>,
    %lt3A = arith.constant 10 : i32
    %lt3A_29 = arith.cmpi slt, %arg1, %lt3A : i32
    %convert_element_type3A = arith.extui %lt3A_29 : i1 to i32
    %cond3A = arith.constant 0 : i32
    %cond3A_30 = arith.cmpi ne, %convert_element_type3A, %cond3A : i32
    scf.if %cond3A_30 {
      %mul3A_40 = arith.constant 8 : i32
      %mul3A_41 = arith.muli %arg1, %mul3A_40 : i32
      %mul3A_42 = arith.constant 8 : i32
      %mul3A_43 = arith.muli %arg1, %mul3A_42 : i32
      %run_scoped3A = arith.constant 0 : i32
      "tpu.region"() ({
        %run_scoped3A_49 = tpu.sem_alloc : memref<!tpu.dma_semaphore, #tpu.memory_space<semaphore_mem>>
        %dma_start3A = arith.constant 0 : i32
        %dma_start3A_50 = tpu.memref_slice %arg17[%run_scoped3A, %mul3A_43, %dma_start3A] : memref<2x80x128xf32, #tpu.memory_space<vmem_shared>> -> memref<1x8x128xf32, #tpu.memory_space<vmem_shared>>
        %dma_start3A_51 = tpu.memref_squeeze %dma_start3A_50 : memref<1x8x128xf32, #tpu.memory_space<vmem_shared>> -> memref<8x128xf32, #tpu.memory_space<vmem_shared>>
        %dma_start3A_52 = arith.constant 0 : i32
        %dma_start3A_53 = tpu.memref_slice %arg6[%mul3A_41, %dma_start3A_52] : memref<80x128xf32, #tpu.memory_space<hbm>> -> memref<8x128xf32, #tpu.memory_space<hbm>>
        tpu.enqueue_dma source(%dma_start3A_53 : memref<8x128xf32, #tpu.memory_space<hbm>>) target(%dma_start3A_51 : memref<8x128xf32, #tpu.memory_space<vmem_shared>>) target_semaphore(%run_scoped3A_49 : memref<!tpu.dma_semaphore, #tpu.memory_space<semaphore_mem>>)
        %dma_wait3A = arith.constant 0 : i32
        %dma_wait3A_54 = tpu.memref_slice %arg17[%run_scoped3A, %mul3A_43, %dma_wait3A] : memref<2x80x128xf32, #tpu.memory_space<vmem_shared>> -> memref<1x8x128xf32, #tpu.memory_space<vmem_shared>>
        %dma_wait3A_55 = tpu.memref_squeeze %dma_wait3A_54 : memref<1x8x128xf32, #tpu.memory_space<vmem_shared>> -> memref<8x128xf32, #tpu.memory_space<vmem_shared>>
        %dma_wait3A_56 = arith.constant 0 : i32
        %dma_wait3A_57 = tpu.memref_slice %arg6[%mul3A_41, %dma_wait3A_56] : memref<80x128xf32, #tpu.memory_space<hbm>> -> memref<8x128xf32, #tpu.memory_space<hbm>>
        tpu.wait_dma2 semaphore(%run_scoped3A_49 : memref<!tpu.dma_semaphore, #tpu.memory_space<semaphore_mem>>) src(%dma_wait3A_57 : memref<8x128xf32, #tpu.memory_space<hbm>>) dst(%dma_wait3A_55 : memref<8x128xf32, #tpu.memory_space<vmem_shared>>)
        tpu.yield
      }) : () -> ()
      %mul3A_44 = arith.constant 8 : i32
      %mul3A_45 = arith.muli %arg1, %mul3A_44 : i32
      %mul3A_46 = arith.constant 8 : i32
      %mul3A_47 = arith.muli %arg1, %mul3A_46 : i32
      %run_scoped3A_48 = arith.constant 1 : i32
      "tpu.region"() ({
        %run_scoped3A_49 = tpu.sem_alloc : memref<!tpu.dma_semaphore, #tpu.memory_space<semaphore_mem>>
        %dma_start3A = arith.constant 0 : i32
        %dma_start3A_50 = tpu.memref_slice %arg17[%run_scoped3A_48, %mul3A_47, %dma_start3A] : memref<2x80x128xf32, #tpu.memory_space<vmem_shared>> -> memref<1x8x128xf32, #tpu.memory_space<vmem_shared>>
        %dma_start3A_51 = tpu.memref_squeeze %dma_start3A_50 : memref<1x8x128xf32, #tpu.memory_space<vmem_shared>> -> memref<8x128xf32, #tpu.memory_space<vmem_shared>>
        %dma_start3A_52 = arith.constant 0 : i32
        %dma_start3A_53 = tpu.memref_slice %arg6[%mul3A_45, %dma_start3A_52] : memref<80x128xf32, #tpu.memory_space<hbm>> -> memref<8x128xf32, #tpu.memory_space<hbm>>
        tpu.enqueue_dma source(%dma_start3A_53 : memref<8x128xf32, #tpu.memory_space<hbm>>) target(%dma_start3A_51 : memref<8x128xf32, #tpu.memory_space<vmem_shared>>) target_semaphore(%run_scoped3A_49 : memref<!tpu.dma_semaphore, #tpu.memory_space<semaphore_mem>>)
        %dma_wait3A = arith.constant 0 : i32
        %dma_wait3A_54 = tpu.memref_slice %arg17[%run_scoped3A_48, %mul3A_47, %dma_wait3A] : memref<2x80x128xf32, #tpu.memory_space<vmem_shared>> -> memref<1x8x128xf32, #tpu.memory_space<vmem_shared>>
        %dma_wait3A_55 = tpu.memref_squeeze %dma_wait3A_54 : memref<1x8x128xf32, #tpu.memory_space<vmem_shared>> -> memref<8x128xf32, #tpu.memory_space<vmem_shared>>
        %dma_wait3A_56 = arith.constant 0 : i32
        %dma_wait3A_57 = tpu.memref_slice %arg6[%mul3A_45, %dma_wait3A_56] : memref<80x128xf32, #tpu.memory_space<hbm>> -> memref<8x128xf32, #tpu.memory_space<hbm>>
        tpu.wait_dma2 semaphore(%run_scoped3A_49 : memref<!tpu.dma_semaphore, #tpu.memory_space<semaphore_mem>>) src(%dma_wait3A_57 : memref<8x128xf32, #tpu.memory_space<hbm>>) dst(%dma_wait3A_55 : memref<8x128xf32, #tpu.memory_space<vmem_shared>>)
        tpu.yield
      }) : () -> ()
    } else {
    }
    %barrier3A = arith.constant 0 : index
    tpu.barrier barrier_id(%barrier3A)
    %scan3A = arith.constant 0 : i32
    %scan3A_31 = arith.constant 0 : i32
    %scan3A_32 = arith.constant 16 : i32
    %scan3A_33 = arith.addi %scan3A_31, %scan3A_32 : i32
    %scan3A_34 = arith.constant 1 : i32
    scf.for %scan3A_40 = %scan3A_31 to %scan3A_33 step %scan3A_34  : i32 {
      %and3A = arith.constant 1 : i32
      %and3A_41 = arith.andi %scan3A_40, %and3A : i32
      tpu.wait_dma2 semaphore(%arg18 : memref<!tpu.dma_semaphore, #tpu.memory_space<semaphore_mem>>) src(%arg6 : memref<80x128xf32, #tpu.memory_space<hbm>>) dst(%arg11 : memref<80x128xf32, #tpu.memory_space<vmem>>)
      %parallel_loop3A = arith.constant 0 : i32
      %parallel_loop3A_42 = arith.constant 2500 : i32
      %parallel_loop3A_43 = arith.constant 1 : i32
      scf.for %parallel_loop3A_93 = %parallel_loop3A to %parallel_loop3A_42 step %parallel_loop3A_43  : i32 {
        %parallel_loop3A_94 = arith.constant 16 : i32
        %parallel_loop3A_95 = arith.muli %parallel_loop3A_93, %parallel_loop3A_94 : i32
        %parallel_loop3A_96 = arith.index_cast %parallel_loop3A_95 : i32 to index
        %parallel_loop3A_97 = tpu.vector_load %arg8[%parallel_loop3A_96] {strides = array<i32>} : memref<40000xi32, #tpu.memory_space<vmem>>, vector<16xi32>,
        %parallel_loop3A_98 = arith.index_cast %parallel_loop3A_95 : i32 to index
        %parallel_loop3A_99 = tpu.vector_load %arg9[%parallel_loop3A_98] {strides = array<i32>} : memref<40000xf32, #tpu.memory_space<vmem>>, vector<16xf32>,
        %parallel_loop3A_100 = arith.constant 16383 : i32
        %parallel_loop3A_101 = vector.broadcast %parallel_loop3A_100 : i32 to vector<16xi32>
        %parallel_loop3A_102 = arith.andi %parallel_loop3A_97, %parallel_loop3A_101 : vector<16xi32>
        %parallel_loop3A_103 = arith.constant 14 : i32
        %parallel_loop3A_104 = vector.broadcast %parallel_loop3A_103 : i32 to vector<16xi32>
        %parallel_loop3A_105 = arith.shrui %parallel_loop3A_97, %parallel_loop3A_104 : vector<16xi32>
        %parallel_loop3A_106 = tpu.vector_load_idx %arg10[%parallel_loop3A_102] : memref<10240xf32, #tpu.memory_space<vmem>>[vector<16xi32>], vector<16xf32>,
        %parallel_loop3A_107 = arith.constant 7 : i32
        %parallel_loop3A_108 = vector.broadcast %parallel_loop3A_107 : i32 to vector<16xi32>
        %parallel_loop3A_109 = arith.shrui %parallel_loop3A_105, %parallel_loop3A_108 : vector<16xi32>
        %parallel_loop3A_110 = arith.constant 127 : i32
        %parallel_loop3A_111 = vector.broadcast %parallel_loop3A_110 : i32 to vector<16xi32>
        %parallel_loop3A_112 = arith.andi %parallel_loop3A_105, %parallel_loop3A_111 : vector<16xi32>
        %parallel_loop3A_113 = arith.mulf %parallel_loop3A_99, %parallel_loop3A_106 : vector<16xf32>
        tpu.vector_store_idx %arg11[%parallel_loop3A_109, %parallel_loop3A_112], %parallel_loop3A_113 {add = true} : memref<80x128xf32, #tpu.memory_space<vmem>>[vector<16xi32>, vector<16xi32>], vector<16xf32>,
      } {sc.loop_unroll_factor = 16 : i64, sc.parallel_access}
      %barrier3A_44 = arith.constant 0 : index
      tpu.barrier barrier_id(%barrier3A_44)
      %lt3A_45 = arith.constant 10 : i32
      %lt3A_46 = arith.cmpi slt, %arg1, %lt3A_45 : i32
      %convert_element_type3A_47 = arith.extui %lt3A_46 : i1 to i32
      %cond3A_48 = arith.constant 0 : i32
      %cond3A_49 = arith.cmpi ne, %convert_element_type3A_47, %cond3A_48 : i32
      scf.if %cond3A_49 {
        %mul3A_93 = arith.constant 8 : i32
        %mul3A_94 = arith.muli %arg1, %mul3A_93 : i32
        %sub3A_95 = arith.constant 1 : i32
        %sub3A_96 = arith.subi %sub3A_95, %and3A_41 : i32
        %mul3A_97 = arith.constant 8 : i32
        %mul3A_98 = arith.muli %arg1, %mul3A_97 : i32
        "tpu.region"() ({
          %run_scoped3A = tpu.sem_alloc : memref<!tpu.dma_semaphore, #tpu.memory_space<semaphore_mem>>
          %dma_start3A = arith.constant 0 : i32
          %dma_start3A_99 = tpu.memref_slice %arg17[%sub3A_96, %mul3A_98, %dma_start3A] : memref<2x80x128xf32, #tpu.memory_space<vmem_shared>> -> memref<1x8x128xf32, #tpu.memory_space<vmem_shared>>
          %dma_start3A_100 = tpu.memref_squeeze %dma_start3A_99 : memref<1x8x128xf32, #tpu.memory_space<vmem_shared>> -> memref<8x128xf32, #tpu.memory_space<vmem_shared>>
          %dma_start3A_101 = arith.constant 0 : i32
          %dma_start3A_102 = tpu.memref_slice %arg6[%mul3A_94, %dma_start3A_101] : memref<80x128xf32, #tpu.memory_space<hbm>> -> memref<8x128xf32, #tpu.memory_space<hbm>>
          tpu.enqueue_dma source(%dma_start3A_102 : memref<8x128xf32, #tpu.memory_space<hbm>>) target(%dma_start3A_100 : memref<8x128xf32, #tpu.memory_space<vmem_shared>>) target_semaphore(%run_scoped3A : memref<!tpu.dma_semaphore, #tpu.memory_space<semaphore_mem>>)
          %dma_wait3A = arith.constant 0 : i32
          %dma_wait3A_103 = tpu.memref_slice %arg17[%sub3A_96, %mul3A_98, %dma_wait3A] : memref<2x80x128xf32, #tpu.memory_space<vmem_shared>> -> memref<1x8x128xf32, #tpu.memory_space<vmem_shared>>
          %dma_wait3A_104 = tpu.memref_squeeze %dma_wait3A_103 : memref<1x8x128xf32, #tpu.memory_space<vmem_shared>> -> memref<8x128xf32, #tpu.memory_space<vmem_shared>>
          %dma_wait3A_105 = arith.constant 0 : i32
          %dma_wait3A_106 = tpu.memref_slice %arg6[%mul3A_94, %dma_wait3A_105] : memref<80x128xf32, #tpu.memory_space<hbm>> -> memref<8x128xf32, #tpu.memory_space<hbm>>
          tpu.wait_dma2 semaphore(%run_scoped3A : memref<!tpu.dma_semaphore, #tpu.memory_space<semaphore_mem>>) src(%dma_wait3A_106 : memref<8x128xf32, #tpu.memory_space<hbm>>) dst(%dma_wait3A_104 : memref<8x128xf32, #tpu.memory_space<vmem_shared>>)
          tpu.yield
        }) : () -> ()
      } else {
      }
      "tpu.region"() ({
        %run_scoped3A = tpu.sem_alloc : memref<!tpu.dma_semaphore, #tpu.memory_space<semaphore_mem>>
        %dma_start3A = arith.constant 0 : i32
        %dma_start3A_93 = arith.constant 0 : i32
        %dma_start3A_94 = tpu.memref_slice %arg17[%and3A_41, %dma_start3A, %dma_start3A_93] : memref<2x80x128xf32, #tpu.memory_space<vmem_shared>> -> memref<1x80x128xf32, #tpu.memory_space<vmem_shared>>
        %dma_start3A_95 = tpu.memref_squeeze %dma_start3A_94 : memref<1x80x128xf32, #tpu.memory_space<vmem_shared>> -> memref<80x128xf32, #tpu.memory_space<vmem_shared>>
        %dma_start3A_96 = arith.constant 0 : i32
        %dma_start3A_97 = arith.constant 0 : i32
        %dma_start3A_98 = tpu.memref_slice %dma_start3A_95[%dma_start3A_96, %dma_start3A_97] : memref<80x128xf32, #tpu.memory_space<vmem_shared>> -> memref<80x128xf32, #tpu.memory_space<vmem_shared>>
        tpu.enqueue_indirect_dma source(%arg11 : memref<80x128xf32, #tpu.memory_space<vmem>>) target(%dma_start3A_98 : memref<80x128xf32, #tpu.memory_space<vmem_shared>>) offsets(%arg14 : memref<80xi32, #tpu.memory_space<vmem>>) semaphore(%run_scoped3A : memref<!tpu.dma_semaphore, #tpu.memory_space<semaphore_mem>>) {add = true}
        %dma_wait3A = arith.constant 0 : i32
        %dma_wait3A_99 = arith.constant 0 : i32
        %dma_wait3A_100 = tpu.memref_slice %arg17[%and3A_41, %dma_wait3A, %dma_wait3A_99] : memref<2x80x128xf32, #tpu.memory_space<vmem_shared>> -> memref<1x80x128xf32, #tpu.memory_space<vmem_shared>>
        %dma_wait3A_101 = tpu.memref_squeeze %dma_wait3A_100 : memref<1x80x128xf32, #tpu.memory_space<vmem_shared>> -> memref<80x128xf32, #tpu.memory_space<vmem_shared>>
        %dma_wait3A_102 = arith.constant 0 : i32
        %dma_wait3A_103 = arith.constant 0 : i32
        %dma_wait3A_104 = tpu.memref_slice %dma_wait3A_101[%dma_wait3A_102, %dma_wait3A_103] : memref<80x128xf32, #tpu.memory_space<vmem_shared>> -> memref<80x128xf32, #tpu.memory_space<vmem_shared>>
        tpu.wait_indirect_dma semaphore(%run_scoped3A : memref<!tpu.dma_semaphore, #tpu.memory_space<semaphore_mem>>) src(%arg11 : memref<80x128xf32, #tpu.memory_space<vmem>>) dst(%dma_wait3A_104 : memref<80x128xf32, #tpu.memory_space<vmem_shared>>)
        tpu.yield
      }) : () -> ()
      %barrier3A_50 = arith.constant 0 : index
      tpu.barrier barrier_id(%barrier3A_50)
      "tpu.region"() ({
        %run_scoped3A = tpu.sem_alloc : memref<!tpu.dma_semaphore, #tpu.memory_space<semaphore_mem>>
        %dma_start3A = arith.constant 0 : i32
        %dma_start3A_93 = arith.constant 0 : i32
        %dma_start3A_94 = tpu.memref_slice %arg17[%and3A_41, %dma_start3A, %dma_start3A_93] : memref<2x80x128xf32, #tpu.memory_space<vmem_shared>> -> memref<1x80x128xf32, #tpu.memory_space<vmem_shared>>
        %dma_start3A_95 = tpu.memref_squeeze %dma_start3A_94 : memref<1x80x128xf32, #tpu.memory_space<vmem_shared>> -> memref<80x128xf32, #tpu.memory_space<vmem_shared>>
        %dma_start3A_96 = arith.constant 0 : i32
        %dma_start3A_97 = arith.constant 0 : i32
        %dma_start3A_98 = tpu.memref_slice %arg17[%and3A_41, %dma_start3A_96, %dma_start3A_97] : memref<2x80x128xf32, #tpu.memory_space<vmem_shared>> -> memref<1x80x128xf32, #tpu.memory_space<vmem_shared>>
        %dma_start3A_99 = tpu.memref_squeeze %dma_start3A_98 : memref<1x80x128xf32, #tpu.memory_space<vmem_shared>> -> memref<80x128xf32, #tpu.memory_space<vmem_shared>>
        tpu.enqueue_dma source(%dma_start3A_99 : memref<80x128xf32, #tpu.memory_space<vmem_shared>>) target(%arg12 : memref<80x128xf32, #tpu.memory_space<vmem>>) target_semaphore(%run_scoped3A : memref<!tpu.dma_semaphore, #tpu.memory_space<semaphore_mem>>)
        %dma_wait3A = arith.constant 0 : i32
        %dma_wait3A_100 = arith.constant 0 : i32
        %dma_wait3A_101 = tpu.memref_slice %arg17[%and3A_41, %dma_wait3A, %dma_wait3A_100] : memref<2x80x128xf32, #tpu.memory_space<vmem_shared>> -> memref<1x80x128xf32, #tpu.memory_space<vmem_shared>>
        %dma_wait3A_102 = tpu.memref_squeeze %dma_wait3A_101 : memref<1x80x128xf32, #tpu.memory_space<vmem_shared>> -> memref<80x128xf32, #tpu.memory_space<vmem_shared>>
        %dma_wait3A_103 = arith.constant 0 : i32
        %dma_wait3A_104 = arith.constant 0 : i32
        %dma_wait3A_105 = tpu.memref_slice %arg17[%and3A_41, %dma_wait3A_103, %dma_wait3A_104] : memref<2x80x128xf32, #tpu.memory_space<vmem_shared>> -> memref<1x80x128xf32, #tpu.memory_space<vmem_shared>>
        %dma_wait3A_106 = tpu.memref_squeeze %dma_wait3A_105 : memref<1x80x128xf32, #tpu.memory_space<vmem_shared>> -> memref<80x128xf32, #tpu.memory_space<vmem_shared>>
        tpu.wait_dma2 semaphore(%run_scoped3A : memref<!tpu.dma_semaphore, #tpu.memory_space<semaphore_mem>>) src(%dma_wait3A_106 : memref<80x128xf32, #tpu.memory_space<vmem_shared>>) dst(%arg12 : memref<80x128xf32, #tpu.memory_space<vmem>>)
        tpu.yield
      }) : () -> ()
      tpu.enqueue_dma source(%arg6 : memref<80x128xf32, #tpu.memory_space<hbm>>) target(%arg11 : memref<80x128xf32, #tpu.memory_space<vmem>>) target_semaphore(%arg18 : memref<!tpu.dma_semaphore, #tpu.memory_space<semaphore_mem>>)
      %scan3A_51 = arith.constant 0 : i32
      %scan3A_52 = arith.constant 0 : i32
      %scan3A_53 = arith.constant 16 : i32
      %scan3A_54 = arith.addi %scan3A_52, %scan3A_53 : i32
      %scan3A_55 = arith.constant 1 : i32
      %scan3A_56 = scf.for %scan3A_93 = %scan3A_52 to %scan3A_54 step %scan3A_55 iter_args(%scan3A_94 = %scan3A_51) -> (i32)  : i32 {
        %mul3A_95 = arith.constant 16 : i32
        %mul3A_96 = arith.muli %scan3A_93, %mul3A_95 : i32
        %swap3A_97 = arith.index_cast %mul3A_96 : i32 to index
        %swap3A_98 = tpu.vector_load %arg16[%swap3A_97] {strides = array<i32>} : memref<256xi32, #tpu.memory_space<vmem>>, vector<16xi32>,
        tpu.vector_store %arg16[%swap3A_97], %broadcast_in_dim3A_0 {strides = array<i32>} : memref<256xi32, #tpu.memory_space<vmem>>, vector<16xi32>,
        %scan3A_99 = arith.constant 0 : i32
        scf.yield %scan3A_99 : i32
      }
      %scan3A_57 = arith.constant 16 : i32
      %get3A = arith.constant 0 : index
      %get3A_58 = tpu.vector_load %arg15[%get3A] {strides = array<i32>} : memref<16xi32, #tpu.memory_space<vmem>>, vector<16xi32>,
      %parallel_loop3A_59 = arith.constant 0 : i32
      %parallel_loop3A_60 = arith.constant 640 : i32
      %parallel_loop3A_61 = arith.constant 1 : i32
      scf.for %parallel_loop3A_93 = %parallel_loop3A_59 to %parallel_loop3A_60 step %parallel_loop3A_61  : i32 {
        %parallel_loop3A_94 = arith.constant 8 : i32
        %parallel_loop3A_95 = arith.divsi %parallel_loop3A_93, %parallel_loop3A_94 : i32
        %parallel_loop3A_96 = arith.constant 0 : i32
        %parallel_loop3A_97 = arith.cmpi sgt, %parallel_loop3A_93, %parallel_loop3A_96 : i32
        %parallel_loop3A_98 = arith.extui %parallel_loop3A_97 : i1 to i32
        %parallel_loop3A_99 = arith.constant 0 : i32
        %parallel_loop3A_100 = arith.cmpi slt, %parallel_loop3A_93, %parallel_loop3A_99 : i32
        %parallel_loop3A_101 = arith.extui %parallel_loop3A_100 : i1 to i32
        %parallel_loop3A_102 = arith.subi %parallel_loop3A_98, %parallel_loop3A_101 : i32
        %parallel_loop3A_103 = arith.constant 0 : i32
        %parallel_loop3A_104 = arith.cmpi sgt, %parallel_loop3A_94, %parallel_loop3A_103 : i32
        %parallel_loop3A_105 = arith.extui %parallel_loop3A_104 : i1 to i32
        %parallel_loop3A_106 = arith.constant 0 : i32
        %parallel_loop3A_107 = arith.cmpi slt, %parallel_loop3A_94, %parallel_loop3A_106 : i32
        %parallel_loop3A_108 = arith.extui %parallel_loop3A_107 : i1 to i32
        %parallel_loop3A_109 = arith.subi %parallel_loop3A_105, %parallel_loop3A_108 : i32
        %parallel_loop3A_110 = arith.cmpi ne, %parallel_loop3A_102, %parallel_loop3A_109 : i32
        %parallel_loop3A_111 = arith.remsi %parallel_loop3A_93, %parallel_loop3A_94 : i32
        %parallel_loop3A_112 = arith.constant 0 : i32
        %parallel_loop3A_113 = arith.cmpi ne, %parallel_loop3A_111, %parallel_loop3A_112 : i32
        %parallel_loop3A_114 = arith.andi %parallel_loop3A_110, %parallel_loop3A_113 : i1
        %parallel_loop3A_115 = arith.constant 1 : i32
        %parallel_loop3A_116 = arith.subi %parallel_loop3A_95, %parallel_loop3A_115 : i32
        %parallel_loop3A_117 = arith.select %parallel_loop3A_114, %parallel_loop3A_116, %parallel_loop3A_95 : i32
        %parallel_loop3A_118 = arith.constant 8 : i32
        %parallel_loop3A_119 = arith.constant 0 : i32
        %parallel_loop3A_120 = arith.cmpi eq, %parallel_loop3A_118, %parallel_loop3A_119 : i32
        %parallel_loop3A_121 = arith.constant 1 : i32
        %parallel_loop3A_122 = arith.select %parallel_loop3A_120, %parallel_loop3A_121, %parallel_loop3A_118 : i32
        %parallel_loop3A_123 = arith.remsi %parallel_loop3A_93, %parallel_loop3A_122 : i32
        %parallel_loop3A_124 = arith.constant 0 : i32
        %parallel_loop3A_125 = arith.cmpi ne, %parallel_loop3A_123, %parallel_loop3A_124 : i32
        %parallel_loop3A_126 = arith.constant 0 : i32
        %parallel_loop3A_127 = arith.cmpi slt, %parallel_loop3A_123, %parallel_loop3A_126 : i32
        %parallel_loop3A_128 = arith.constant 0 : i32
        %parallel_loop3A_129 = arith.cmpi slt, %parallel_loop3A_122, %parallel_loop3A_128 : i32
        %parallel_loop3A_130 = arith.xori %parallel_loop3A_127, %parallel_loop3A_129 : i1
        %parallel_loop3A_131 = arith.andi %parallel_loop3A_130, %parallel_loop3A_125 : i1
        %parallel_loop3A_132 = arith.addi %parallel_loop3A_123, %parallel_loop3A_122 : i32
        %parallel_loop3A_133 = arith.select %parallel_loop3A_131, %parallel_loop3A_132, %parallel_loop3A_123 : i32
        %parallel_loop3A_134 = arith.constant 16 : i32
        %parallel_loop3A_135 = arith.muli %parallel_loop3A_133, %parallel_loop3A_134 : i32
        %parallel_loop3A_136 = arith.index_cast %parallel_loop3A_117 : i32 to index
        %parallel_loop3A_137 = arith.index_cast %parallel_loop3A_135 : i32 to index
        %parallel_loop3A_138 = tpu.vector_load %arg12[%parallel_loop3A_136, %parallel_loop3A_137] {strides = array<i32>} : memref<80x128xf32, #tpu.memory_space<vmem>>, vector<16xf32>,
        %parallel_loop3A_139 = arith.constant 16 : i32
        %parallel_loop3A_140 = arith.muli %parallel_loop3A_93, %parallel_loop3A_139 : i32
        %parallel_loop3A_141 = vector.broadcast %parallel_loop3A_140 : i32 to vector<16xi32>
        %parallel_loop3A_142 = arith.addi %parallel_loop3A_141, %iota3A : vector<16xi32>
        %parallel_loop3A_143 = arith.cmpi eq, %parallel_loop3A_142, %get3A_58 : vector<16xi32>
        %parallel_loop3A_144 = arith.constant 1.500000e-01 : f32
        %parallel_loop3A_145 = arith.constant 0.000000e+00 : f32
        %parallel_loop3A_146 = vector.broadcast %parallel_loop3A_144 : f32 to vector<16xf32>
        %parallel_loop3A_147 = vector.broadcast %parallel_loop3A_145 : f32 to vector<16xf32>
        %parallel_loop3A_148 = arith.select %parallel_loop3A_143, %parallel_loop3A_146, %parallel_loop3A_147 : vector<16xi1>, vector<16xf32>
        %parallel_loop3A_149 = arith.constant 8.500000e-01 : f32
        %parallel_loop3A_150 = vector.broadcast %parallel_loop3A_149 : f32 to vector<16xf32>
        %parallel_loop3A_151 = arith.mulf %parallel_loop3A_150, %parallel_loop3A_138 : vector<16xf32>
        %parallel_loop3A_152 = arith.subf %parallel_loop3A_151, %parallel_loop3A_148 : vector<16xf32>
        %parallel_loop3A_153 = arith.constant 8 : i32
        %parallel_loop3A_154 = arith.divsi %parallel_loop3A_93, %parallel_loop3A_153 : i32
        %parallel_loop3A_155 = arith.constant 0 : i32
        %parallel_loop3A_156 = arith.cmpi sgt, %parallel_loop3A_93, %parallel_loop3A_155 : i32
        %parallel_loop3A_157 = arith.extui %parallel_loop3A_156 : i1 to i32
        %parallel_loop3A_158 = arith.constant 0 : i32
        %parallel_loop3A_159 = arith.cmpi slt, %parallel_loop3A_93, %parallel_loop3A_158 : i32
        %parallel_loop3A_160 = arith.extui %parallel_loop3A_159 : i1 to i32
        %parallel_loop3A_161 = arith.subi %parallel_loop3A_157, %parallel_loop3A_160 : i32
        %parallel_loop3A_162 = arith.constant 0 : i32
        %parallel_loop3A_163 = arith.cmpi sgt, %parallel_loop3A_153, %parallel_loop3A_162 : i32
        %parallel_loop3A_164 = arith.extui %parallel_loop3A_163 : i1 to i32
        %parallel_loop3A_165 = arith.constant 0 : i32
        %parallel_loop3A_166 = arith.cmpi slt, %parallel_loop3A_153, %parallel_loop3A_165 : i32
        %parallel_loop3A_167 = arith.extui %parallel_loop3A_166 : i1 to i32
        %parallel_loop3A_168 = arith.subi %parallel_loop3A_164, %parallel_loop3A_167 : i32
        %parallel_loop3A_169 = arith.cmpi ne, %parallel_loop3A_161, %parallel_loop3A_168 : i32
        %parallel_loop3A_170 = arith.remsi %parallel_loop3A_93, %parallel_loop3A_153 : i32
        %parallel_loop3A_171 = arith.constant 0 : i32
        %parallel_loop3A_172 = arith.cmpi ne, %parallel_loop3A_170, %parallel_loop3A_171 : i32
        %parallel_loop3A_173 = arith.andi %parallel_loop3A_169, %parallel_loop3A_172 : i1
        %parallel_loop3A_174 = arith.constant 1 : i32
        %parallel_loop3A_175 = arith.subi %parallel_loop3A_154, %parallel_loop3A_174 : i32
        %parallel_loop3A_176 = arith.select %parallel_loop3A_173, %parallel_loop3A_175, %parallel_loop3A_154 : i32
        %parallel_loop3A_177 = arith.constant 8 : i32
        %parallel_loop3A_178 = arith.constant 0 : i32
        %parallel_loop3A_179 = arith.cmpi eq, %parallel_loop3A_177, %parallel_loop3A_178 : i32
        %parallel_loop3A_180 = arith.constant 1 : i32
        %parallel_loop3A_181 = arith.select %parallel_loop3A_179, %parallel_loop3A_180, %parallel_loop3A_177 : i32
        %parallel_loop3A_182 = arith.remsi %parallel_loop3A_93, %parallel_loop3A_181 : i32
        %parallel_loop3A_183 = arith.constant 0 : i32
        %parallel_loop3A_184 = arith.cmpi ne, %parallel_loop3A_182, %parallel_loop3A_183 : i32
        %parallel_loop3A_185 = arith.constant 0 : i32
        %parallel_loop3A_186 = arith.cmpi slt, %parallel_loop3A_182, %parallel_loop3A_185 : i32
        %parallel_loop3A_187 = arith.constant 0 : i32
        %parallel_loop3A_188 = arith.cmpi slt, %parallel_loop3A_181, %parallel_loop3A_187 : i32
        %parallel_loop3A_189 = arith.xori %parallel_loop3A_186, %parallel_loop3A_188 : i1
        %parallel_loop3A_190 = arith.andi %parallel_loop3A_189, %parallel_loop3A_184 : i1
        %parallel_loop3A_191 = arith.addi %parallel_loop3A_182, %parallel_loop3A_181 : i32
        %parallel_loop3A_192 = arith.select %parallel_loop3A_190, %parallel_loop3A_191, %parallel_loop3A_182 : i32
        %parallel_loop3A_193 = arith.constant 16 : i32
        %parallel_loop3A_194 = arith.muli %parallel_loop3A_192, %parallel_loop3A_193 : i32
        %parallel_loop3A_195 = arith.index_cast %parallel_loop3A_176 : i32 to index
        %parallel_loop3A_196 = arith.index_cast %parallel_loop3A_194 : i32 to index
        %parallel_loop3A_197 = tpu.vector_load %arg12[%parallel_loop3A_195, %parallel_loop3A_196] {strides = array<i32>} : memref<80x128xf32, #tpu.memory_space<vmem>>, vector<16xf32>,
        tpu.vector_store %arg12[%parallel_loop3A_195, %parallel_loop3A_196], %parallel_loop3A_152 {strides = array<i32>} : memref<80x128xf32, #tpu.memory_space<vmem>>, vector<16xf32>,
        %parallel_loop3A_198 = tpu.bitcast %parallel_loop3A_152 : vector<16xf32> -> vector<16xi32>
        %parallel_loop3A_199 = arith.constant 2147483647 : i32
        %parallel_loop3A_200 = vector.broadcast %parallel_loop3A_199 : i32 to vector<16xi32>
        %parallel_loop3A_201 = arith.andi %parallel_loop3A_198, %parallel_loop3A_200 : vector<16xi32>
        %parallel_loop3A_202 = arith.constant 23 : i32
        %parallel_loop3A_203 = vector.broadcast %parallel_loop3A_202 : i32 to vector<16xi32>
        %parallel_loop3A_204 = arith.shrui %parallel_loop3A_201, %parallel_loop3A_203 : vector<16xi32>
        %parallel_loop3A_205 = arith.constant 255 : i32
        %parallel_loop3A_206 = vector.broadcast %parallel_loop3A_205 : i32 to vector<16xi32>
        %parallel_loop3A_207 = arith.subi %parallel_loop3A_206, %parallel_loop3A_204 : vector<16xi32>
        tpu.vector_store_idx %arg16[%parallel_loop3A_207], %broadcast_in_dim3A_2 {add = true} : memref<256xi32, #tpu.memory_space<vmem>>[vector<16xi32>], vector<16xi32>,
      } {sc.loop_unroll_factor = 4 : i64, sc.parallel_access}
      %broadcast_in_dim3A_62 = arith.constant 256 : i32
      %broadcast_in_dim3A_63 = vector.broadcast %broadcast_in_dim3A_62 : i32 to vector<16xi32>
      %broadcast_in_dim3A_64 = arith.constant 0 : i32
      %broadcast_in_dim3A_65 = vector.broadcast %broadcast_in_dim3A_64 : i32 to vector<16xi32>
      %scan3A_66 = arith.constant 0 : i32
      %scan3A_67 = arith.constant 0 : i32
      %scan3A_68 = arith.constant 0 : i32
      %scan3A_69 = arith.constant 16 : i32
      %scan3A_70 = arith.addi %scan3A_68, %scan3A_69 : i32
      %scan3A_71 = arith.constant 1 : i32
      %scan3A_72:3 = scf.for %scan3A_93 = %scan3A_68 to %scan3A_70 step %scan3A_71 iter_args(%scan3A_94 = %scan3A_66, %scan3A_95 = %broadcast_in_dim3A_65, %scan3A_96 = %scan3A_67) -> (i32, vector<16xi32>, i32)  : i32 {
        %mul3A_97 = arith.constant 16 : i32
        %mul3A_98 = arith.muli %scan3A_93, %mul3A_97 : i32
        %get3A_99 = arith.index_cast %mul3A_98 : i32 to index
        %get3A_100 = tpu.vector_load %arg16[%get3A_99] {strides = array<i32>} : memref<256xi32, #tpu.memory_space<vmem>>, vector<16xi32>,
        %broadcast_in_dim3A_101 = arith.constant true
        %broadcast_in_dim3A_102 = vector.broadcast %broadcast_in_dim3A_101 : i1 to vector<16xi1>
        %masked_cumsum3A = tpu.scan <sum>, %get3A_100 masked %broadcast_in_dim3A_102 : vector<16xi32>, vector<16xi1> -> vector<16xi32>
        %add3A_103 = vector.broadcast %scan3A_94 : i32 to vector<16xi32>
        %add3A_104 = arith.addi %masked_cumsum3A, %add3A_103 : vector<16xi32>
        %lt3A_105 = arith.cmpi slt, %add3A_104, %broadcast_in_dim3A_63 : vector<16xi32>
        %all_reduce_population_count3A = tpu.all_reduce %lt3A_105 {dim = 0 : i64, kind = #tpu.reduction_kind<sum>} : vector<16xi1> -> vector<16xi32>
        %add3A_106 = arith.addi %scan3A_95, %all_reduce_population_count3A : vector<16xi32>
        %jit3A = arith.constant 0 : i32
        %broadcast_in_dim3A_107 = vector.broadcast %jit3A : i32 to vector<16xi32>
        %select_n3A = arith.select %lt3A_105, %get3A_100, %broadcast_in_dim3A_107 : vector<16xi1>, vector<16xi32>
        %reduce_sum3A = arith.constant true
        %reduce_sum3A_108 = vector.broadcast %reduce_sum3A : i1 to vector<16xi1>
        %reduce_sum3A_109 = tpu.scan <sum>, %select_n3A masked %reduce_sum3A_108 : vector<16xi32>, vector<16xi1> -> vector<16xi32>
        %reduce_sum3A_110 = vector.extract %reduce_sum3A_109[15] : i32 from vector<16xi32>
        %add3A_111 = arith.addi %scan3A_96, %reduce_sum3A_110 : i32
        %reduce_max3A_112 = arith.constant true
        %reduce_max3A_113 = vector.broadcast %reduce_max3A_112 : i1 to vector<16xi1>
        %reduce_max3A_114 = arith.constant -2147483648 : i32
        %reduce_max3A_115 = vector.broadcast %reduce_max3A_114 : i32 to vector<16xi32>
        %reduce_max3A_116 = arith.xori %add3A_104, %reduce_max3A_115 : vector<16xi32>
        %reduce_max3A_117 = tpu.scan <max>, %reduce_max3A_116 masked %reduce_max3A_113 : vector<16xi32>, vector<16xi1> -> vector<16xi32>
        %reduce_max3A_118 = arith.xori %reduce_max3A_117, %reduce_max3A_115 : vector<16xi32>
        %reduce_max3A_119 = vector.extract %reduce_max3A_118[15] : i32 from vector<16xi32>
        scf.yield %reduce_max3A_119, %add3A_106, %add3A_111 : i32, vector<16xi32>, i32
      }
      %scan3A_73 = arith.constant 16 : i32
      %sub3A = arith.constant 255 : i32
      %sub3A_74 = vector.broadcast %sub3A : i32 to vector<16xi32>
      %sub3A_75 = arith.subi %sub3A_74, %scan3A_72#1 : vector<16xi32>
      %sub3A_76 = vector.broadcast %scan3A_72#2 : i32 to vector<16xi32>
      %sub3A_77 = arith.subi %broadcast_in_dim3A_63, %sub3A_76 : vector<16xi32>
      %reduce_max3A = arith.constant true
      %reduce_max3A_78 = vector.broadcast %reduce_max3A : i1 to vector<16xi1>
      %reduce_max3A_79 = arith.constant -2147483648 : i32
      %reduce_max3A_80 = vector.broadcast %reduce_max3A_79 : i32 to vector<16xi32>
      %reduce_max3A_81 = arith.xori %sub3A_75, %reduce_max3A_80 : vector<16xi32>
      %reduce_max3A_82 = tpu.scan <max>, %reduce_max3A_81 masked %reduce_max3A_78 : vector<16xi32>, vector<16xi1> -> vector<16xi32>
      %reduce_max3A_83 = arith.xori %reduce_max3A_82, %reduce_max3A_80 : vector<16xi32>
      %reduce_max3A_84 = vector.extract %reduce_max3A_83[15] : i32 from vector<16xi32>
      %gt3A = arith.constant 0 : i32
      %gt3A_85 = arith.cmpi sgt, %reduce_max3A_84, %gt3A : i32
      %convert_element_type3A_86 = arith.extui %gt3A_85 : i1 to i32
      %cond3A_87 = arith.constant 0 : i32
      %cond3A_88 = arith.cmpi ne, %convert_element_type3A_86, %cond3A_87 : i32
      %cond3A_89 = scf.if %cond3A_88 -> (vector<16xi32>) {
        %broadcast_in_dim3A_93 = arith.constant 0 : i32
        %broadcast_in_dim3A_94 = vector.broadcast %broadcast_in_dim3A_93 : i32 to vector<16xi32>
        %parallel_loop3A_95 = arith.constant 0 : i32
        %parallel_loop3A_96 = arith.constant 640 : i32
        %parallel_loop3A_97 = arith.constant 1 : i32
        %parallel_loop3A_98 = scf.for %parallel_loop3A_248 = %parallel_loop3A_95 to %parallel_loop3A_96 step %parallel_loop3A_97 iter_args(%parallel_loop3A_249 = %broadcast_in_dim3A_94) -> (vector<16xi32>)  : i32 {
          %parallel_loop3A_250 = arith.constant 8 : i32
          %parallel_loop3A_251 = arith.divsi %parallel_loop3A_248, %parallel_loop3A_250 : i32
          %parallel_loop3A_252 = arith.constant 0 : i32
          %parallel_loop3A_253 = arith.cmpi sgt, %parallel_loop3A_248, %parallel_loop3A_252 : i32
          %parallel_loop3A_254 = arith.extui %parallel_loop3A_253 : i1 to i32
          %parallel_loop3A_255 = arith.constant 0 : i32
          %parallel_loop3A_256 = arith.cmpi slt, %parallel_loop3A_248, %parallel_loop3A_255 : i32
          %parallel_loop3A_257 = arith.extui %parallel_loop3A_256 : i1 to i32
          %parallel_loop3A_258 = arith.subi %parallel_loop3A_254, %parallel_loop3A_257 : i32
          %parallel_loop3A_259 = arith.constant 0 : i32
          %parallel_loop3A_260 = arith.cmpi sgt, %parallel_loop3A_250, %parallel_loop3A_259 : i32
          %parallel_loop3A_261 = arith.extui %parallel_loop3A_260 : i1 to i32
          %parallel_loop3A_262 = arith.constant 0 : i32
          %parallel_loop3A_263 = arith.cmpi slt, %parallel_loop3A_250, %parallel_loop3A_262 : i32
          %parallel_loop3A_264 = arith.extui %parallel_loop3A_263 : i1 to i32
          %parallel_loop3A_265 = arith.subi %parallel_loop3A_261, %parallel_loop3A_264 : i32
          %parallel_loop3A_266 = arith.cmpi ne, %parallel_loop3A_258, %parallel_loop3A_265 : i32
          %parallel_loop3A_267 = arith.remsi %parallel_loop3A_248, %parallel_loop3A_250 : i32
          %parallel_loop3A_268 = arith.constant 0 : i32
          %parallel_loop3A_269 = arith.cmpi ne, %parallel_loop3A_267, %parallel_loop3A_268 : i32
          %parallel_loop3A_270 = arith.andi %parallel_loop3A_266, %parallel_loop3A_269 : i1
          %parallel_loop3A_271 = arith.constant 1 : i32
          %parallel_loop3A_272 = arith.subi %parallel_loop3A_251, %parallel_loop3A_271 : i32
          %parallel_loop3A_273 = arith.select %parallel_loop3A_270, %parallel_loop3A_272, %parallel_loop3A_251 : i32
          %parallel_loop3A_274 = arith.constant 8 : i32
          %parallel_loop3A_275 = arith.constant 0 : i32
          %parallel_loop3A_276 = arith.cmpi eq, %parallel_loop3A_274, %parallel_loop3A_275 : i32
          %parallel_loop3A_277 = arith.constant 1 : i32
          %parallel_loop3A_278 = arith.select %parallel_loop3A_276, %parallel_loop3A_277, %parallel_loop3A_274 : i32
          %parallel_loop3A_279 = arith.remsi %parallel_loop3A_248, %parallel_loop3A_278 : i32
          %parallel_loop3A_280 = arith.constant 0 : i32
          %parallel_loop3A_281 = arith.cmpi ne, %parallel_loop3A_279, %parallel_loop3A_280 : i32
          %parallel_loop3A_282 = arith.constant 0 : i32
          %parallel_loop3A_283 = arith.cmpi slt, %parallel_loop3A_279, %parallel_loop3A_282 : i32
          %parallel_loop3A_284 = arith.constant 0 : i32
          %parallel_loop3A_285 = arith.cmpi slt, %parallel_loop3A_278, %parallel_loop3A_284 : i32
          %parallel_loop3A_286 = arith.xori %parallel_loop3A_283, %parallel_loop3A_285 : i1
          %parallel_loop3A_287 = arith.andi %parallel_loop3A_286, %parallel_loop3A_281 : i1
          %parallel_loop3A_288 = arith.addi %parallel_loop3A_279, %parallel_loop3A_278 : i32
          %parallel_loop3A_289 = arith.select %parallel_loop3A_287, %parallel_loop3A_288, %parallel_loop3A_279 : i32
          %parallel_loop3A_290 = arith.constant 16 : i32
          %parallel_loop3A_291 = arith.muli %parallel_loop3A_289, %parallel_loop3A_290 : i32
          %parallel_loop3A_292 = arith.index_cast %parallel_loop3A_273 : i32 to index
          %parallel_loop3A_293 = arith.index_cast %parallel_loop3A_291 : i32 to index
          %parallel_loop3A_294 = tpu.vector_load %arg12[%parallel_loop3A_292, %parallel_loop3A_293] {strides = array<i32>} : memref<80x128xf32, #tpu.memory_space<vmem>>, vector<16xf32>,
          %parallel_loop3A_295 = tpu.bitcast %parallel_loop3A_294 : vector<16xf32> -> vector<16xi32>
          %parallel_loop3A_296 = arith.constant 2147483647 : i32
          %parallel_loop3A_297 = vector.broadcast %parallel_loop3A_296 : i32 to vector<16xi32>
          %parallel_loop3A_298 = arith.andi %parallel_loop3A_295, %parallel_loop3A_297 : vector<16xi32>
          %parallel_loop3A_299 = arith.constant 23 : i32
          %parallel_loop3A_300 = vector.broadcast %parallel_loop3A_299 : i32 to vector<16xi32>
          %parallel_loop3A_301 = arith.shrui %parallel_loop3A_298, %parallel_loop3A_300 : vector<16xi32>
          %parallel_loop3A_302 = arith.cmpi eq, %parallel_loop3A_301, %sub3A_75 : vector<16xi32>
          %parallel_loop3A_303 = arith.extui %parallel_loop3A_302 : vector<16xi1> to vector<16xi32>
          %parallel_loop3A_304 = arith.constant true
          %parallel_loop3A_305 = vector.broadcast %parallel_loop3A_304 : i1 to vector<16xi1>
          %parallel_loop3A_306 = tpu.scan <sum>, %parallel_loop3A_303 masked %parallel_loop3A_305 : vector<16xi32>, vector<16xi1> -> vector<16xi32>
          %parallel_loop3A_307 = arith.addi %parallel_loop3A_249, %parallel_loop3A_306 : vector<16xi32>
          %parallel_loop3A_308 = arith.subi %parallel_loop3A_307, %parallel_loop3A_303 : vector<16xi32>
          tpu.vector_store_idx %arg13[%parallel_loop3A_308], %parallel_loop3A_298 masked %parallel_loop3A_302 : memref<10256xi32, #tpu.memory_space<vmem>>[vector<16xi32>], vector<16xi32>, vector<16xi1>
          %parallel_loop3A_309 = tpu.all_reduce %parallel_loop3A_302 {dim = 0 : i64, kind = #tpu.reduction_kind<sum>} : vector<16xi1> -> vector<16xi32>
          %parallel_loop3A_310 = arith.addi %parallel_loop3A_249, %parallel_loop3A_309 : vector<16xi32>
          scf.yield %parallel_loop3A_310 : vector<16xi32>
        } {sc.loop_unroll_factor = 4 : i64, sc.parallel_access}
        %add3A_99 = arith.constant 15 : i32
        %add3A_100 = vector.broadcast %add3A_99 : i32 to vector<16xi32>
        %add3A_101 = arith.addi %parallel_loop3A_98, %add3A_100 : vector<16xi32>
        %jit3A = arith.constant 16 : i32
        %div3A = vector.broadcast %jit3A : i32 to vector<16xi32>
        %div3A_102 = arith.divsi %add3A_101, %div3A : vector<16xi32>
        %sign3A = arith.constant 0 : i32
        %sign3A_103 = vector.broadcast %sign3A : i32 to vector<16xi32>
        %sign3A_104 = arith.cmpi sgt, %add3A_101, %sign3A_103 : vector<16xi32>
        %sign3A_105 = arith.extui %sign3A_104 : vector<16xi1> to vector<16xi32>
        %sign3A_106 = arith.constant 0 : i32
        %sign3A_107 = vector.broadcast %sign3A_106 : i32 to vector<16xi32>
        %sign3A_108 = arith.cmpi slt, %add3A_101, %sign3A_107 : vector<16xi32>
        %sign3A_109 = arith.extui %sign3A_108 : vector<16xi1> to vector<16xi32>
        %sign3A_110 = arith.subi %sign3A_105, %sign3A_109 : vector<16xi32>
        %sign3A_111 = arith.constant 0 : i32
        %sign3A_112 = arith.cmpi sgt, %jit3A, %sign3A_111 : i32
        %sign3A_113 = arith.extui %sign3A_112 : i1 to i32
        %sign3A_114 = arith.constant 0 : i32
        %sign3A_115 = arith.cmpi slt, %jit3A, %sign3A_114 : i32
        %sign3A_116 = arith.extui %sign3A_115 : i1 to i32
        %sign3A_117 = arith.subi %sign3A_113, %sign3A_116 : i32
        %ne3A = vector.broadcast %sign3A_117 : i32 to vector<16xi32>
        %ne3A_118 = arith.cmpi ne, %sign3A_110, %ne3A : vector<16xi32>
        %rem3A = vector.broadcast %jit3A : i32 to vector<16xi32>
        %rem3A_119 = arith.remsi %add3A_101, %rem3A : vector<16xi32>
        %ne3A_120 = arith.constant 0 : i32
        %ne3A_121 = vector.broadcast %ne3A_120 : i32 to vector<16xi32>
        %ne3A_122 = arith.cmpi ne, %rem3A_119, %ne3A_121 : vector<16xi32>
        %and3A_123 = arith.andi %ne3A_118, %ne3A_122 : vector<16xi1>
        %sub3A_124 = arith.constant 1 : i32
        %sub3A_125 = vector.broadcast %sub3A_124 : i32 to vector<16xi32>
        %sub3A_126 = arith.subi %div3A_102, %sub3A_125 : vector<16xi32>
        %select_n3A = arith.select %and3A_123, %sub3A_126, %div3A_102 : vector<16xi1>, vector<16xi32>
        %reduce_max3A_127 = arith.constant true
        %reduce_max3A_128 = vector.broadcast %reduce_max3A_127 : i1 to vector<16xi1>
        %reduce_max3A_129 = arith.constant -2147483648 : i32
        %reduce_max3A_130 = vector.broadcast %reduce_max3A_129 : i32 to vector<16xi32>
        %reduce_max3A_131 = arith.xori %select_n3A, %reduce_max3A_130 : vector<16xi32>
        %reduce_max3A_132 = tpu.scan <max>, %reduce_max3A_131 masked %reduce_max3A_128 : vector<16xi32>, vector<16xi1> -> vector<16xi32>
        %reduce_max3A_133 = arith.xori %reduce_max3A_132, %reduce_max3A_130 : vector<16xi32>
        %reduce_max3A_134 = vector.extract %reduce_max3A_133[15] : i32 from vector<16xi32>
        %scan3A_135 = arith.constant 0 : i32
        %scan3A_136 = arith.constant 0 : i32
        %scan3A_137 = arith.constant 16 : i32
        %scan3A_138 = arith.addi %scan3A_136, %scan3A_137 : i32
        %scan3A_139 = arith.constant 1 : i32
        %scan3A_140 = scf.for %scan3A_248 = %scan3A_136 to %scan3A_138 step %scan3A_139 iter_args(%scan3A_249 = %scan3A_135) -> (i32)  : i32 {
          %mul3A_250 = arith.constant 16 : i32
          %mul3A_251 = arith.muli %scan3A_248, %mul3A_250 : i32
          %swap3A_252 = arith.index_cast %mul3A_251 : i32 to index
          %swap3A_253 = tpu.vector_load %arg16[%swap3A_252] {strides = array<i32>} : memref<256xi32, #tpu.memory_space<vmem>>, vector<16xi32>,
          tpu.vector_store %arg16[%swap3A_252], %broadcast_in_dim3A_0 {strides = array<i32>} : memref<256xi32, #tpu.memory_space<vmem>>, vector<16xi32>,
          %scan3A_254 = arith.constant 0 : i32
          scf.yield %scan3A_254 : i32
        }
        %scan3A_141 = arith.constant 16 : i32
        %while3A = arith.constant 0 : i32
        %while3A_142 = arith.constant 0 : i32
        %while3A_143 = arith.subi %reduce_max3A_134, %while3A : i32
        %while3A_144 = arith.addi %while3A, %while3A_143 : i32
        %while3A_145 = arith.constant 1 : i32
        %while3A_146 = arith.divsi %while3A_143, %while3A_145 : i32
        %while3A_147 = arith.muli %while3A_146, %while3A_145 : i32
        %while3A_148 = arith.addi %while3A, %while3A_147 : i32
        %while3A_149 = arith.constant 1 : i32
        %while3A_150 = scf.for %while3A_248 = %while3A to %while3A_148 step %while3A_149 iter_args(%while3A_249 = %while3A_142) -> (i32)  : i32 {
          %mul3A_250 = arith.constant 16 : i32
          %mul3A_251 = arith.muli %while3A_248, %mul3A_250 : i32
          %get3A_252 = arith.index_cast %mul3A_251 : i32 to index
          %get3A_253 = tpu.vector_load %arg13[%get3A_252] {strides = array<i32>} : memref<10256xi32, #tpu.memory_space<vmem>>, vector<16xi32>,
          %mul3A_254 = arith.constant 16 : i32
          %mul3A_255 = arith.muli %while3A_248, %mul3A_254 : i32
          %sub3A_256 = vector.broadcast %mul3A_255 : i32 to vector<16xi32>
          %sub3A_257 = arith.subi %parallel_loop3A_98, %sub3A_256 : vector<16xi32>
          %lt3A_258 = arith.cmpi slt, %iota3A, %sub3A_257 : vector<16xi32>
          %shift_right_logical3A = arith.constant 23 : i32
          %shift_right_logical3A_259 = vector.broadcast %shift_right_logical3A : i32 to vector<16xi32>
          %shift_right_logical3A_260 = arith.shrui %get3A_253, %shift_right_logical3A_259 : vector<16xi32>
          %eq3A_261 = arith.cmpi eq, %shift_right_logical3A_260, %sub3A_75 : vector<16xi32>
          %and3A_262 = arith.andi %lt3A_258, %eq3A_261 : vector<16xi1>
          %shift_right_logical3A_263 = arith.constant 15 : i32
          %shift_right_logical3A_264 = vector.broadcast %shift_right_logical3A_263 : i32 to vector<16xi32>
          %shift_right_logical3A_265 = arith.shrui %get3A_253, %shift_right_logical3A_264 : vector<16xi32>
          %and3A_266 = arith.constant 255 : i32
          %and3A_267 = vector.broadcast %and3A_266 : i32 to vector<16xi32>
          %and3A_268 = arith.andi %shift_right_logical3A_265, %and3A_267 : vector<16xi32>
          %sub3A_269 = arith.constant 255 : i32
          %sub3A_270 = vector.broadcast %sub3A_269 : i32 to vector<16xi32>
          %sub3A_271 = arith.subi %sub3A_270, %and3A_268 : vector<16xi32>
          tpu.vector_store_idx %arg16[%sub3A_271], %broadcast_in_dim3A_2 masked %and3A_262 {add = true} : memref<256xi32, #tpu.memory_space<vmem>>[vector<16xi32>], vector<16xi32>, vector<16xi1>
          %while3A_272 = arith.constant 0 : i32
          scf.yield %while3A_272 : i32
        }
        %while3A_151 = arith.constant 1 : i32
        %while3A_152 = scf.for %while3A_248 = %while3A_148 to %while3A_144 step %while3A_151 iter_args(%while3A_249 = %while3A_150) -> (i32)  : i32 {
          %mul3A_250 = arith.constant 16 : i32
          %mul3A_251 = arith.muli %while3A_248, %mul3A_250 : i32
          %get3A_252 = arith.index_cast %mul3A_251 : i32 to index
          %get3A_253 = tpu.vector_load %arg13[%get3A_252] {strides = array<i32>} : memref<10256xi32, #tpu.memory_space<vmem>>, vector<16xi32>,
          %mul3A_254 = arith.constant 16 : i32
          %mul3A_255 = arith.muli %while3A_248, %mul3A_254 : i32
          %sub3A_256 = vector.broadcast %mul3A_255 : i32 to vector<16xi32>
          %sub3A_257 = arith.subi %parallel_loop3A_98, %sub3A_256 : vector<16xi32>
          %lt3A_258 = arith.cmpi slt, %iota3A, %sub3A_257 : vector<16xi32>
          %shift_right_logical3A = arith.constant 23 : i32
          %shift_right_logical3A_259 = vector.broadcast %shift_right_logical3A : i32 to vector<16xi32>
          %shift_right_logical3A_260 = arith.shrui %get3A_253, %shift_right_logical3A_259 : vector<16xi32>
          %eq3A_261 = arith.cmpi eq, %shift_right_logical3A_260, %sub3A_75 : vector<16xi32>
          %and3A_262 = arith.andi %lt3A_258, %eq3A_261 : vector<16xi1>
          %shift_right_logical3A_263 = arith.constant 15 : i32
          %shift_right_logical3A_264 = vector.broadcast %shift_right_logical3A_263 : i32 to vector<16xi32>
          %shift_right_logical3A_265 = arith.shrui %get3A_253, %shift_right_logical3A_264 : vector<16xi32>
          %and3A_266 = arith.constant 255 : i32
          %and3A_267 = vector.broadcast %and3A_266 : i32 to vector<16xi32>
          %and3A_268 = arith.andi %shift_right_logical3A_265, %and3A_267 : vector<16xi32>
          %sub3A_269 = arith.constant 255 : i32
          %sub3A_270 = vector.broadcast %sub3A_269 : i32 to vector<16xi32>
          %sub3A_271 = arith.subi %sub3A_270, %and3A_268 : vector<16xi32>
          tpu.vector_store_idx %arg16[%sub3A_271], %broadcast_in_dim3A_2 masked %and3A_262 {add = true} : memref<256xi32, #tpu.memory_space<vmem>>[vector<16xi32>], vector<16xi32>, vector<16xi1>
          %while3A_272 = arith.constant 0 : i32
          scf.yield %while3A_272 : i32
        }
        %broadcast_in_dim3A_153 = arith.constant 0 : i32
        %broadcast_in_dim3A_154 = vector.broadcast %broadcast_in_dim3A_153 : i32 to vector<16xi32>
        %scan3A_155 = arith.constant 0 : i32
        %scan3A_156 = arith.constant 0 : i32
        %scan3A_157 = arith.constant 0 : i32
        %scan3A_158 = arith.constant 16 : i32
        %scan3A_159 = arith.addi %scan3A_157, %scan3A_158 : i32
        %scan3A_160 = arith.constant 1 : i32
        %scan3A_161:3 = scf.for %scan3A_248 = %scan3A_157 to %scan3A_159 step %scan3A_160 iter_args(%scan3A_249 = %scan3A_155, %scan3A_250 = %broadcast_in_dim3A_154, %scan3A_251 = %scan3A_156) -> (i32, vector<16xi32>, i32)  : i32 {
          %mul3A_252 = arith.constant 16 : i32
          %mul3A_253 = arith.muli %scan3A_248, %mul3A_252 : i32
          %get3A_254 = arith.index_cast %mul3A_253 : i32 to index
          %get3A_255 = tpu.vector_load %arg16[%get3A_254] {strides = array<i32>} : memref<256xi32, #tpu.memory_space<vmem>>, vector<16xi32>,
          %broadcast_in_dim3A_256 = arith.constant true
          %broadcast_in_dim3A_257 = vector.broadcast %broadcast_in_dim3A_256 : i1 to vector<16xi1>
          %masked_cumsum3A = tpu.scan <sum>, %get3A_255 masked %broadcast_in_dim3A_257 : vector<16xi32>, vector<16xi1> -> vector<16xi32>
          %add3A_258 = vector.broadcast %scan3A_249 : i32 to vector<16xi32>
          %add3A_259 = arith.addi %masked_cumsum3A, %add3A_258 : vector<16xi32>
          %lt3A_260 = arith.cmpi slt, %add3A_259, %sub3A_77 : vector<16xi32>
          %all_reduce_population_count3A = tpu.all_reduce %lt3A_260 {dim = 0 : i64, kind = #tpu.reduction_kind<sum>} : vector<16xi1> -> vector<16xi32>
          %add3A_261 = arith.addi %scan3A_250, %all_reduce_population_count3A : vector<16xi32>
          %jit3A_262 = arith.constant 0 : i32
          %broadcast_in_dim3A_263 = vector.broadcast %jit3A_262 : i32 to vector<16xi32>
          %select_n3A_264 = arith.select %lt3A_260, %get3A_255, %broadcast_in_dim3A_263 : vector<16xi1>, vector<16xi32>
          %reduce_sum3A = arith.constant true
          %reduce_sum3A_265 = vector.broadcast %reduce_sum3A : i1 to vector<16xi1>
          %reduce_sum3A_266 = tpu.scan <sum>, %select_n3A_264 masked %reduce_sum3A_265 : vector<16xi32>, vector<16xi1> -> vector<16xi32>
          %reduce_sum3A_267 = vector.extract %reduce_sum3A_266[15] : i32 from vector<16xi32>
          %add3A_268 = arith.addi %scan3A_251, %reduce_sum3A_267 : i32
          %reduce_max3A_269 = arith.constant true
          %reduce_max3A_270 = vector.broadcast %reduce_max3A_269 : i1 to vector<16xi1>
          %reduce_max3A_271 = arith.constant -2147483648 : i32
          %reduce_max3A_272 = vector.broadcast %reduce_max3A_271 : i32 to vector<16xi32>
          %reduce_max3A_273 = arith.xori %add3A_259, %reduce_max3A_272 : vector<16xi32>
          %reduce_max3A_274 = tpu.scan <max>, %reduce_max3A_273 masked %reduce_max3A_270 : vector<16xi32>, vector<16xi1> -> vector<16xi32>
          %reduce_max3A_275 = arith.xori %reduce_max3A_274, %reduce_max3A_272 : vector<16xi32>
          %reduce_max3A_276 = vector.extract %reduce_max3A_275[15] : i32 from vector<16xi32>
          scf.yield %reduce_max3A_276, %add3A_261, %add3A_268 : i32, vector<16xi32>, i32
        }
        %scan3A_162 = arith.constant 16 : i32
        %sub3A_163 = arith.constant 255 : i32
        %sub3A_164 = vector.broadcast %sub3A_163 : i32 to vector<16xi32>
        %sub3A_165 = arith.subi %sub3A_164, %scan3A_161#1 : vector<16xi32>
        %sub3A_166 = vector.broadcast %scan3A_161#2 : i32 to vector<16xi32>
        %sub3A_167 = arith.subi %sub3A_77, %sub3A_166 : vector<16xi32>
        %mul3A_168 = arith.constant 256 : i32
        %mul3A_169 = vector.broadcast %mul3A_168 : i32 to vector<16xi32>
        %mul3A_170 = arith.muli %sub3A_75, %mul3A_169 : vector<16xi32>
        %add3A_171 = arith.addi %mul3A_170, %sub3A_165 : vector<16xi32>
        %scan3A_172 = arith.constant 0 : i32
        %scan3A_173 = arith.constant 0 : i32
        %scan3A_174 = arith.constant 16 : i32
        %scan3A_175 = arith.addi %scan3A_173, %scan3A_174 : i32
        %scan3A_176 = arith.constant 1 : i32
        %scan3A_177 = scf.for %scan3A_248 = %scan3A_173 to %scan3A_175 step %scan3A_176 iter_args(%scan3A_249 = %scan3A_172) -> (i32)  : i32 {
          %mul3A_250 = arith.constant 16 : i32
          %mul3A_251 = arith.muli %scan3A_248, %mul3A_250 : i32
          %swap3A_252 = arith.index_cast %mul3A_251 : i32 to index
          %swap3A_253 = tpu.vector_load %arg16[%swap3A_252] {strides = array<i32>} : memref<256xi32, #tpu.memory_space<vmem>>, vector<16xi32>,
          tpu.vector_store %arg16[%swap3A_252], %broadcast_in_dim3A_0 {strides = array<i32>} : memref<256xi32, #tpu.memory_space<vmem>>, vector<16xi32>,
          %scan3A_254 = arith.constant 0 : i32
          scf.yield %scan3A_254 : i32
        }
        %scan3A_178 = arith.constant 16 : i32
        %while3A_179 = arith.constant 0 : i32
        %while3A_180 = arith.constant 0 : i32
        %while3A_181 = arith.subi %reduce_max3A_134, %while3A_179 : i32
        %while3A_182 = arith.addi %while3A_179, %while3A_181 : i32
        %while3A_183 = arith.constant 1 : i32
        %while3A_184 = arith.divsi %while3A_181, %while3A_183 : i32
        %while3A_185 = arith.muli %while3A_184, %while3A_183 : i32
        %while3A_186 = arith.addi %while3A_179, %while3A_185 : i32
        %while3A_187 = arith.constant 1 : i32
        %while3A_188 = scf.for %while3A_248 = %while3A_179 to %while3A_186 step %while3A_187 iter_args(%while3A_249 = %while3A_180) -> (i32)  : i32 {
          %mul3A_250 = arith.constant 16 : i32
          %mul3A_251 = arith.muli %while3A_248, %mul3A_250 : i32
          %get3A_252 = arith.index_cast %mul3A_251 : i32 to index
          %get3A_253 = tpu.vector_load %arg13[%get3A_252] {strides = array<i32>} : memref<10256xi32, #tpu.memory_space<vmem>>, vector<16xi32>,
          %mul3A_254 = arith.constant 16 : i32
          %mul3A_255 = arith.muli %while3A_248, %mul3A_254 : i32
          %sub3A_256 = vector.broadcast %mul3A_255 : i32 to vector<16xi32>
          %sub3A_257 = arith.subi %parallel_loop3A_98, %sub3A_256 : vector<16xi32>
          %lt3A_258 = arith.cmpi slt, %iota3A, %sub3A_257 : vector<16xi32>
          %shift_right_logical3A = arith.constant 15 : i32
          %shift_right_logical3A_259 = vector.broadcast %shift_right_logical3A : i32 to vector<16xi32>
          %shift_right_logical3A_260 = arith.shrui %get3A_253, %shift_right_logical3A_259 : vector<16xi32>
          %eq3A_261 = arith.cmpi eq, %shift_right_logical3A_260, %add3A_171 : vector<16xi32>
          %and3A_262 = arith.andi %lt3A_258, %eq3A_261 : vector<16xi1>
          %shift_right_logical3A_263 = arith.constant 7 : i32
          %shift_right_logical3A_264 = vector.broadcast %shift_right_logical3A_263 : i32 to vector<16xi32>
          %shift_right_logical3A_265 = arith.shrui %get3A_253, %shift_right_logical3A_264 : vector<16xi32>
          %and3A_266 = arith.constant 255 : i32
          %and3A_267 = vector.broadcast %and3A_266 : i32 to vector<16xi32>
          %and3A_268 = arith.andi %shift_right_logical3A_265, %and3A_267 : vector<16xi32>
          %sub3A_269 = arith.constant 255 : i32
          %sub3A_270 = vector.broadcast %sub3A_269 : i32 to vector<16xi32>
          %sub3A_271 = arith.subi %sub3A_270, %and3A_268 : vector<16xi32>
          tpu.vector_store_idx %arg16[%sub3A_271], %broadcast_in_dim3A_2 masked %and3A_262 {add = true} : memref<256xi32, #tpu.memory_space<vmem>>[vector<16xi32>], vector<16xi32>, vector<16xi1>
          %while3A_272 = arith.constant 0 : i32
          scf.yield %while3A_272 : i32
        }
        %while3A_189 = arith.constant 1 : i32
        %while3A_190 = scf.for %while3A_248 = %while3A_186 to %while3A_182 step %while3A_189 iter_args(%while3A_249 = %while3A_188) -> (i32)  : i32 {
          %mul3A_250 = arith.constant 16 : i32
          %mul3A_251 = arith.muli %while3A_248, %mul3A_250 : i32
          %get3A_252 = arith.index_cast %mul3A_251 : i32 to index
          %get3A_253 = tpu.vector_load %arg13[%get3A_252] {strides = array<i32>} : memref<10256xi32, #tpu.memory_space<vmem>>, vector<16xi32>,
          %mul3A_254 = arith.constant 16 : i32
          %mul3A_255 = arith.muli %while3A_248, %mul3A_254 : i32
          %sub3A_256 = vector.broadcast %mul3A_255 : i32 to vector<16xi32>
          %sub3A_257 = arith.subi %parallel_loop3A_98, %sub3A_256 : vector<16xi32>
          %lt3A_258 = arith.cmpi slt, %iota3A, %sub3A_257 : vector<16xi32>
          %shift_right_logical3A = arith.constant 15 : i32
          %shift_right_logical3A_259 = vector.broadcast %shift_right_logical3A : i32 to vector<16xi32>
          %shift_right_logical3A_260 = arith.shrui %get3A_253, %shift_right_logical3A_259 : vector<16xi32>
          %eq3A_261 = arith.cmpi eq, %shift_right_logical3A_260, %add3A_171 : vector<16xi32>
          %and3A_262 = arith.andi %lt3A_258, %eq3A_261 : vector<16xi1>
          %shift_right_logical3A_263 = arith.constant 7 : i32
          %shift_right_logical3A_264 = vector.broadcast %shift_right_logical3A_263 : i32 to vector<16xi32>
          %shift_right_logical3A_265 = arith.shrui %get3A_253, %shift_right_logical3A_264 : vector<16xi32>
          %and3A_266 = arith.constant 255 : i32
          %and3A_267 = vector.broadcast %and3A_266 : i32 to vector<16xi32>
          %and3A_268 = arith.andi %shift_right_logical3A_265, %and3A_267 : vector<16xi32>
          %sub3A_269 = arith.constant 255 : i32
          %sub3A_270 = vector.broadcast %sub3A_269 : i32 to vector<16xi32>
          %sub3A_271 = arith.subi %sub3A_270, %and3A_268 : vector<16xi32>
          tpu.vector_store_idx %arg16[%sub3A_271], %broadcast_in_dim3A_2 masked %and3A_262 {add = true} : memref<256xi32, #tpu.memory_space<vmem>>[vector<16xi32>], vector<16xi32>, vector<16xi1>
          %while3A_272 = arith.constant 0 : i32
          scf.yield %while3A_272 : i32
        }
        %broadcast_in_dim3A_191 = arith.constant 0 : i32
        %broadcast_in_dim3A_192 = vector.broadcast %broadcast_in_dim3A_191 : i32 to vector<16xi32>
        %scan3A_193 = arith.constant 0 : i32
        %scan3A_194 = arith.constant 0 : i32
        %scan3A_195 = arith.constant 0 : i32
        %scan3A_196 = arith.constant 16 : i32
        %scan3A_197 = arith.addi %scan3A_195, %scan3A_196 : i32
        %scan3A_198 = arith.constant 1 : i32
        %scan3A_199:3 = scf.for %scan3A_248 = %scan3A_195 to %scan3A_197 step %scan3A_198 iter_args(%scan3A_249 = %scan3A_193, %scan3A_250 = %broadcast_in_dim3A_192, %scan3A_251 = %scan3A_194) -> (i32, vector<16xi32>, i32)  : i32 {
          %mul3A_252 = arith.constant 16 : i32
          %mul3A_253 = arith.muli %scan3A_248, %mul3A_252 : i32
          %get3A_254 = arith.index_cast %mul3A_253 : i32 to index
          %get3A_255 = tpu.vector_load %arg16[%get3A_254] {strides = array<i32>} : memref<256xi32, #tpu.memory_space<vmem>>, vector<16xi32>,
          %broadcast_in_dim3A_256 = arith.constant true
          %broadcast_in_dim3A_257 = vector.broadcast %broadcast_in_dim3A_256 : i1 to vector<16xi1>
          %masked_cumsum3A = tpu.scan <sum>, %get3A_255 masked %broadcast_in_dim3A_257 : vector<16xi32>, vector<16xi1> -> vector<16xi32>
          %add3A_258 = vector.broadcast %scan3A_249 : i32 to vector<16xi32>
          %add3A_259 = arith.addi %masked_cumsum3A, %add3A_258 : vector<16xi32>
          %lt3A_260 = arith.cmpi slt, %add3A_259, %sub3A_167 : vector<16xi32>
          %all_reduce_population_count3A = tpu.all_reduce %lt3A_260 {dim = 0 : i64, kind = #tpu.reduction_kind<sum>} : vector<16xi1> -> vector<16xi32>
          %add3A_261 = arith.addi %scan3A_250, %all_reduce_population_count3A : vector<16xi32>
          %jit3A_262 = arith.constant 0 : i32
          %broadcast_in_dim3A_263 = vector.broadcast %jit3A_262 : i32 to vector<16xi32>
          %select_n3A_264 = arith.select %lt3A_260, %get3A_255, %broadcast_in_dim3A_263 : vector<16xi1>, vector<16xi32>
          %reduce_sum3A = arith.constant true
          %reduce_sum3A_265 = vector.broadcast %reduce_sum3A : i1 to vector<16xi1>
          %reduce_sum3A_266 = tpu.scan <sum>, %select_n3A_264 masked %reduce_sum3A_265 : vector<16xi32>, vector<16xi1> -> vector<16xi32>
          %reduce_sum3A_267 = vector.extract %reduce_sum3A_266[15] : i32 from vector<16xi32>
          %add3A_268 = arith.addi %scan3A_251, %reduce_sum3A_267 : i32
          %reduce_max3A_269 = arith.constant true
          %reduce_max3A_270 = vector.broadcast %reduce_max3A_269 : i1 to vector<16xi1>
          %reduce_max3A_271 = arith.constant -2147483648 : i32
          %reduce_max3A_272 = vector.broadcast %reduce_max3A_271 : i32 to vector<16xi32>
          %reduce_max3A_273 = arith.xori %add3A_259, %reduce_max3A_272 : vector<16xi32>
          %reduce_max3A_274 = tpu.scan <max>, %reduce_max3A_273 masked %reduce_max3A_270 : vector<16xi32>, vector<16xi1> -> vector<16xi32>
          %reduce_max3A_275 = arith.xori %reduce_max3A_274, %reduce_max3A_272 : vector<16xi32>
          %reduce_max3A_276 = vector.extract %reduce_max3A_275[15] : i32 from vector<16xi32>
          scf.yield %reduce_max3A_276, %add3A_261, %add3A_268 : i32, vector<16xi32>, i32
        }
        %scan3A_200 = arith.constant 16 : i32
        %sub3A_201 = arith.constant 255 : i32
        %sub3A_202 = vector.broadcast %sub3A_201 : i32 to vector<16xi32>
        %sub3A_203 = arith.subi %sub3A_202, %scan3A_199#1 : vector<16xi32>
        %sub3A_204 = vector.broadcast %scan3A_199#2 : i32 to vector<16xi32>
        %sub3A_205 = arith.subi %sub3A_167, %sub3A_204 : vector<16xi32>
        %mul3A_206 = arith.constant 256 : i32
        %mul3A_207 = vector.broadcast %mul3A_206 : i32 to vector<16xi32>
        %mul3A_208 = arith.muli %add3A_171, %mul3A_207 : vector<16xi32>
        %add3A_209 = arith.addi %mul3A_208, %sub3A_203 : vector<16xi32>
        %scan3A_210 = arith.constant 0 : i32
        %scan3A_211 = arith.constant 0 : i32
        %scan3A_212 = arith.constant 16 : i32
        %scan3A_213 = arith.addi %scan3A_211, %scan3A_212 : i32
        %scan3A_214 = arith.constant 1 : i32
        %scan3A_215 = scf.for %scan3A_248 = %scan3A_211 to %scan3A_213 step %scan3A_214 iter_args(%scan3A_249 = %scan3A_210) -> (i32)  : i32 {
          %mul3A_250 = arith.constant 16 : i32
          %mul3A_251 = arith.muli %scan3A_248, %mul3A_250 : i32
          %swap3A_252 = arith.index_cast %mul3A_251 : i32 to index
          %swap3A_253 = tpu.vector_load %arg16[%swap3A_252] {strides = array<i32>} : memref<256xi32, #tpu.memory_space<vmem>>, vector<16xi32>,
          tpu.vector_store %arg16[%swap3A_252], %broadcast_in_dim3A_0 {strides = array<i32>} : memref<256xi32, #tpu.memory_space<vmem>>, vector<16xi32>,
          %scan3A_254 = arith.constant 0 : i32
          scf.yield %scan3A_254 : i32
        }
        %scan3A_216 = arith.constant 16 : i32
        %while3A_217 = arith.constant 0 : i32
        %while3A_218 = arith.constant 0 : i32
        %while3A_219 = arith.subi %reduce_max3A_134, %while3A_217 : i32
        %while3A_220 = arith.addi %while3A_217, %while3A_219 : i32
        %while3A_221 = arith.constant 1 : i32
        %while3A_222 = arith.divsi %while3A_219, %while3A_221 : i32
        %while3A_223 = arith.muli %while3A_222, %while3A_221 : i32
        %while3A_224 = arith.addi %while3A_217, %while3A_223 : i32
        %while3A_225 = arith.constant 1 : i32
        %while3A_226 = scf.for %while3A_248 = %while3A_217 to %while3A_224 step %while3A_225 iter_args(%while3A_249 = %while3A_218) -> (i32)  : i32 {
          %mul3A_250 = arith.constant 16 : i32
          %mul3A_251 = arith.muli %while3A_248, %mul3A_250 : i32
          %get3A_252 = arith.index_cast %mul3A_251 : i32 to index
          %get3A_253 = tpu.vector_load %arg13[%get3A_252] {strides = array<i32>} : memref<10256xi32, #tpu.memory_space<vmem>>, vector<16xi32>,
          %mul3A_254 = arith.constant 16 : i32
          %mul3A_255 = arith.muli %while3A_248, %mul3A_254 : i32
          %sub3A_256 = vector.broadcast %mul3A_255 : i32 to vector<16xi32>
          %sub3A_257 = arith.subi %parallel_loop3A_98, %sub3A_256 : vector<16xi32>
          %lt3A_258 = arith.cmpi slt, %iota3A, %sub3A_257 : vector<16xi32>
          %shift_right_logical3A = arith.constant 7 : i32
          %shift_right_logical3A_259 = vector.broadcast %shift_right_logical3A : i32 to vector<16xi32>
          %shift_right_logical3A_260 = arith.shrui %get3A_253, %shift_right_logical3A_259 : vector<16xi32>
          %eq3A_261 = arith.cmpi eq, %shift_right_logical3A_260, %add3A_209 : vector<16xi32>
          %and3A_262 = arith.andi %lt3A_258, %eq3A_261 : vector<16xi1>
          %shift_right_logical3A_263 = arith.constant 0 : i32
          %shift_right_logical3A_264 = vector.broadcast %shift_right_logical3A_263 : i32 to vector<16xi32>
          %shift_right_logical3A_265 = arith.shrui %get3A_253, %shift_right_logical3A_264 : vector<16xi32>
          %and3A_266 = arith.constant 127 : i32
          %and3A_267 = vector.broadcast %and3A_266 : i32 to vector<16xi32>
          %and3A_268 = arith.andi %shift_right_logical3A_265, %and3A_267 : vector<16xi32>
          %sub3A_269 = arith.constant 255 : i32
          %sub3A_270 = vector.broadcast %sub3A_269 : i32 to vector<16xi32>
          %sub3A_271 = arith.subi %sub3A_270, %and3A_268 : vector<16xi32>
          tpu.vector_store_idx %arg16[%sub3A_271], %broadcast_in_dim3A_2 masked %and3A_262 {add = true} : memref<256xi32, #tpu.memory_space<vmem>>[vector<16xi32>], vector<16xi32>, vector<16xi1>
          %while3A_272 = arith.constant 0 : i32
          scf.yield %while3A_272 : i32
        }
        %while3A_227 = arith.constant 1 : i32
        %while3A_228 = scf.for %while3A_248 = %while3A_224 to %while3A_220 step %while3A_227 iter_args(%while3A_249 = %while3A_226) -> (i32)  : i32 {
          %mul3A_250 = arith.constant 16 : i32
          %mul3A_251 = arith.muli %while3A_248, %mul3A_250 : i32
          %get3A_252 = arith.index_cast %mul3A_251 : i32 to index
          %get3A_253 = tpu.vector_load %arg13[%get3A_252] {strides = array<i32>} : memref<10256xi32, #tpu.memory_space<vmem>>, vector<16xi32>,
          %mul3A_254 = arith.constant 16 : i32
          %mul3A_255 = arith.muli %while3A_248, %mul3A_254 : i32
          %sub3A_256 = vector.broadcast %mul3A_255 : i32 to vector<16xi32>
          %sub3A_257 = arith.subi %parallel_loop3A_98, %sub3A_256 : vector<16xi32>
          %lt3A_258 = arith.cmpi slt, %iota3A, %sub3A_257 : vector<16xi32>
          %shift_right_logical3A = arith.constant 7 : i32
          %shift_right_logical3A_259 = vector.broadcast %shift_right_logical3A : i32 to vector<16xi32>
          %shift_right_logical3A_260 = arith.shrui %get3A_253, %shift_right_logical3A_259 : vector<16xi32>
          %eq3A_261 = arith.cmpi eq, %shift_right_logical3A_260, %add3A_209 : vector<16xi32>
          %and3A_262 = arith.andi %lt3A_258, %eq3A_261 : vector<16xi1>
          %shift_right_logical3A_263 = arith.constant 0 : i32
          %shift_right_logical3A_264 = vector.broadcast %shift_right_logical3A_263 : i32 to vector<16xi32>
          %shift_right_logical3A_265 = arith.shrui %get3A_253, %shift_right_logical3A_264 : vector<16xi32>
          %and3A_266 = arith.constant 127 : i32
          %and3A_267 = vector.broadcast %and3A_266 : i32 to vector<16xi32>
          %and3A_268 = arith.andi %shift_right_logical3A_265, %and3A_267 : vector<16xi32>
          %sub3A_269 = arith.constant 255 : i32
          %sub3A_270 = vector.broadcast %sub3A_269 : i32 to vector<16xi32>
          %sub3A_271 = arith.subi %sub3A_270, %and3A_268 : vector<16xi32>
          tpu.vector_store_idx %arg16[%sub3A_271], %broadcast_in_dim3A_2 masked %and3A_262 {add = true} : memref<256xi32, #tpu.memory_space<vmem>>[vector<16xi32>], vector<16xi32>, vector<16xi1>
          %while3A_272 = arith.constant 0 : i32
          scf.yield %while3A_272 : i32
        }
        %broadcast_in_dim3A_229 = arith.constant 0 : i32
        %broadcast_in_dim3A_230 = vector.broadcast %broadcast_in_dim3A_229 : i32 to vector<16xi32>
        %scan3A_231 = arith.constant 0 : i32
        %scan3A_232 = arith.constant 0 : i32
        %scan3A_233 = arith.constant 0 : i32
        %scan3A_234 = arith.constant 16 : i32
        %scan3A_235 = arith.addi %scan3A_233, %scan3A_234 : i32
        %scan3A_236 = arith.constant 1 : i32
        %scan3A_237:3 = scf.for %scan3A_248 = %scan3A_233 to %scan3A_235 step %scan3A_236 iter_args(%scan3A_249 = %scan3A_231, %scan3A_250 = %broadcast_in_dim3A_230, %scan3A_251 = %scan3A_232) -> (i32, vector<16xi32>, i32)  : i32 {
          %mul3A_252 = arith.constant 16 : i32
          %mul3A_253 = arith.muli %scan3A_248, %mul3A_252 : i32
          %get3A_254 = arith.index_cast %mul3A_253 : i32 to index
          %get3A_255 = tpu.vector_load %arg16[%get3A_254] {strides = array<i32>} : memref<256xi32, #tpu.memory_space<vmem>>, vector<16xi32>,
          %broadcast_in_dim3A_256 = arith.constant true
          %broadcast_in_dim3A_257 = vector.broadcast %broadcast_in_dim3A_256 : i1 to vector<16xi1>
          %masked_cumsum3A = tpu.scan <sum>, %get3A_255 masked %broadcast_in_dim3A_257 : vector<16xi32>, vector<16xi1> -> vector<16xi32>
          %add3A_258 = vector.broadcast %scan3A_249 : i32 to vector<16xi32>
          %add3A_259 = arith.addi %masked_cumsum3A, %add3A_258 : vector<16xi32>
          %lt3A_260 = arith.cmpi slt, %add3A_259, %sub3A_205 : vector<16xi32>
          %all_reduce_population_count3A = tpu.all_reduce %lt3A_260 {dim = 0 : i64, kind = #tpu.reduction_kind<sum>} : vector<16xi1> -> vector<16xi32>
          %add3A_261 = arith.addi %scan3A_250, %all_reduce_population_count3A : vector<16xi32>
          %jit3A_262 = arith.constant 0 : i32
          %broadcast_in_dim3A_263 = vector.broadcast %jit3A_262 : i32 to vector<16xi32>
          %select_n3A_264 = arith.select %lt3A_260, %get3A_255, %broadcast_in_dim3A_263 : vector<16xi1>, vector<16xi32>
          %reduce_sum3A = arith.constant true
          %reduce_sum3A_265 = vector.broadcast %reduce_sum3A : i1 to vector<16xi1>
          %reduce_sum3A_266 = tpu.scan <sum>, %select_n3A_264 masked %reduce_sum3A_265 : vector<16xi32>, vector<16xi1> -> vector<16xi32>
          %reduce_sum3A_267 = vector.extract %reduce_sum3A_266[15] : i32 from vector<16xi32>
          %add3A_268 = arith.addi %scan3A_251, %reduce_sum3A_267 : i32
          %reduce_max3A_269 = arith.constant true
          %reduce_max3A_270 = vector.broadcast %reduce_max3A_269 : i1 to vector<16xi1>
          %reduce_max3A_271 = arith.constant -2147483648 : i32
          %reduce_max3A_272 = vector.broadcast %reduce_max3A_271 : i32 to vector<16xi32>
          %reduce_max3A_273 = arith.xori %add3A_259, %reduce_max3A_272 : vector<16xi32>
          %reduce_max3A_274 = tpu.scan <max>, %reduce_max3A_273 masked %reduce_max3A_270 : vector<16xi32>, vector<16xi1> -> vector<16xi32>
          %reduce_max3A_275 = arith.xori %reduce_max3A_274, %reduce_max3A_272 : vector<16xi32>
          %reduce_max3A_276 = vector.extract %reduce_max3A_275[15] : i32 from vector<16xi32>
          scf.yield %reduce_max3A_276, %add3A_261, %add3A_268 : i32, vector<16xi32>, i32
        }
        %scan3A_238 = arith.constant 16 : i32
        %sub3A_239 = arith.constant 255 : i32
        %sub3A_240 = vector.broadcast %sub3A_239 : i32 to vector<16xi32>
        %sub3A_241 = arith.subi %sub3A_240, %scan3A_237#1 : vector<16xi32>
        %sub3A_242 = vector.broadcast %scan3A_237#2 : i32 to vector<16xi32>
        %sub3A_243 = arith.subi %sub3A_205, %sub3A_242 : vector<16xi32>
        %mul3A_244 = arith.constant 128 : i32
        %mul3A_245 = vector.broadcast %mul3A_244 : i32 to vector<16xi32>
        %mul3A_246 = arith.muli %add3A_209, %mul3A_245 : vector<16xi32>
        %add3A_247 = arith.addi %mul3A_246, %sub3A_241 : vector<16xi32>
        scf.yield %add3A_247 : vector<16xi32>
      } else {
        %broadcast_in_dim3A_93 = arith.constant 1 : i32
        %broadcast_in_dim3A_94 = vector.broadcast %broadcast_in_dim3A_93 : i32 to vector<16xi32>
        scf.yield %broadcast_in_dim3A_94 : vector<16xi32>
      }
      %parallel_loop3A_90 = arith.constant 0 : i32
      %parallel_loop3A_91 = arith.constant 640 : i32
      %parallel_loop3A_92 = arith.constant 1 : i32
      scf.for %parallel_loop3A_93 = %parallel_loop3A_90 to %parallel_loop3A_91 step %parallel_loop3A_92  : i32 {
        %parallel_loop3A_94 = arith.constant 8 : i32
        %parallel_loop3A_95 = arith.divsi %parallel_loop3A_93, %parallel_loop3A_94 : i32
        %parallel_loop3A_96 = arith.constant 0 : i32
        %parallel_loop3A_97 = arith.cmpi sgt, %parallel_loop3A_93, %parallel_loop3A_96 : i32
        %parallel_loop3A_98 = arith.extui %parallel_loop3A_97 : i1 to i32
        %parallel_loop3A_99 = arith.constant 0 : i32
        %parallel_loop3A_100 = arith.cmpi slt, %parallel_loop3A_93, %parallel_loop3A_99 : i32
        %parallel_loop3A_101 = arith.extui %parallel_loop3A_100 : i1 to i32
        %parallel_loop3A_102 = arith.subi %parallel_loop3A_98, %parallel_loop3A_101 : i32
        %parallel_loop3A_103 = arith.constant 0 : i32
        %parallel_loop3A_104 = arith.cmpi sgt, %parallel_loop3A_94, %parallel_loop3A_103 : i32
        %parallel_loop3A_105 = arith.extui %parallel_loop3A_104 : i1 to i32
        %parallel_loop3A_106 = arith.constant 0 : i32
        %parallel_loop3A_107 = arith.cmpi slt, %parallel_loop3A_94, %parallel_loop3A_106 : i32
        %parallel_loop3A_108 = arith.extui %parallel_loop3A_107 : i1 to i32
        %parallel_loop3A_109 = arith.subi %parallel_loop3A_105, %parallel_loop3A_108 : i32
        %parallel_loop3A_110 = arith.cmpi ne, %parallel_loop3A_102, %parallel_loop3A_109 : i32
        %parallel_loop3A_111 = arith.remsi %parallel_loop3A_93, %parallel_loop3A_94 : i32
        %parallel_loop3A_112 = arith.constant 0 : i32
        %parallel_loop3A_113 = arith.cmpi ne, %parallel_loop3A_111, %parallel_loop3A_112 : i32
        %parallel_loop3A_114 = arith.andi %parallel_loop3A_110, %parallel_loop3A_113 : i1
        %parallel_loop3A_115 = arith.constant 1 : i32
        %parallel_loop3A_116 = arith.subi %parallel_loop3A_95, %parallel_loop3A_115 : i32
        %parallel_loop3A_117 = arith.select %parallel_loop3A_114, %parallel_loop3A_116, %parallel_loop3A_95 : i32
        %parallel_loop3A_118 = arith.constant 8 : i32
        %parallel_loop3A_119 = arith.constant 0 : i32
        %parallel_loop3A_120 = arith.cmpi eq, %parallel_loop3A_118, %parallel_loop3A_119 : i32
        %parallel_loop3A_121 = arith.constant 1 : i32
        %parallel_loop3A_122 = arith.select %parallel_loop3A_120, %parallel_loop3A_121, %parallel_loop3A_118 : i32
        %parallel_loop3A_123 = arith.remsi %parallel_loop3A_93, %parallel_loop3A_122 : i32
        %parallel_loop3A_124 = arith.constant 0 : i32
        %parallel_loop3A_125 = arith.cmpi ne, %parallel_loop3A_123, %parallel_loop3A_124 : i32
        %parallel_loop3A_126 = arith.constant 0 : i32
        %parallel_loop3A_127 = arith.cmpi slt, %parallel_loop3A_123, %parallel_loop3A_126 : i32
        %parallel_loop3A_128 = arith.constant 0 : i32
        %parallel_loop3A_129 = arith.cmpi slt, %parallel_loop3A_122, %parallel_loop3A_128 : i32
        %parallel_loop3A_130 = arith.xori %parallel_loop3A_127, %parallel_loop3A_129 : i1
        %parallel_loop3A_131 = arith.andi %parallel_loop3A_130, %parallel_loop3A_125 : i1
        %parallel_loop3A_132 = arith.addi %parallel_loop3A_123, %parallel_loop3A_122 : i32
        %parallel_loop3A_133 = arith.select %parallel_loop3A_131, %parallel_loop3A_132, %parallel_loop3A_123 : i32
        %parallel_loop3A_134 = arith.constant 16 : i32
        %parallel_loop3A_135 = arith.muli %parallel_loop3A_133, %parallel_loop3A_134 : i32
        %parallel_loop3A_136 = arith.index_cast %parallel_loop3A_117 : i32 to index
        %parallel_loop3A_137 = arith.index_cast %parallel_loop3A_135 : i32 to index
        %parallel_loop3A_138 = tpu.vector_load %arg12[%parallel_loop3A_136, %parallel_loop3A_137] {strides = array<i32>} : memref<80x128xf32, #tpu.memory_space<vmem>>, vector<16xf32>,
        %parallel_loop3A_139 = tpu.bitcast %parallel_loop3A_138 : vector<16xf32> -> vector<16xi32>
        %parallel_loop3A_140 = arith.constant -2147483648 : i32
        %parallel_loop3A_141 = vector.broadcast %parallel_loop3A_140 : i32 to vector<16xi32>
        %parallel_loop3A_142 = arith.andi %parallel_loop3A_139, %parallel_loop3A_141 : vector<16xi32>
        %parallel_loop3A_143 = arith.constant 1065353216 : i32
        %parallel_loop3A_144 = vector.broadcast %parallel_loop3A_143 : i32 to vector<16xi32>
        %parallel_loop3A_145 = arith.ori %parallel_loop3A_144, %parallel_loop3A_142 : vector<16xi32>
        %parallel_loop3A_146 = tpu.bitcast %parallel_loop3A_145 : vector<16xi32> -> vector<16xf32>
        %parallel_loop3A_147 = math.absf %parallel_loop3A_138 : vector<16xf32>
        %parallel_loop3A_148 = arith.constant 0.000000e+00 : f32
        %parallel_loop3A_149 = vector.broadcast %parallel_loop3A_148 : f32 to vector<16xf32>
        %parallel_loop3A_150 = arith.cmpf ogt, %parallel_loop3A_147, %parallel_loop3A_149 : vector<16xf32>
        %parallel_loop3A_151 = arith.select %parallel_loop3A_150, %parallel_loop3A_146, %parallel_loop3A_138 : vector<16xi1>, vector<16xf32>
        %parallel_loop3A_152 = math.absf %parallel_loop3A_138 : vector<16xf32>
        %parallel_loop3A_153 = arith.constant 1.500000e-05 : f32
        %parallel_loop3A_154 = vector.broadcast %parallel_loop3A_153 : f32 to vector<16xf32>
        %parallel_loop3A_155 = arith.subf %parallel_loop3A_152, %parallel_loop3A_154 : vector<16xf32>
        %parallel_loop3A_156 = arith.constant 0.000000e+00 : f32
        %parallel_loop3A_157 = vector.broadcast %parallel_loop3A_156 : f32 to vector<16xf32>
        %parallel_loop3A_158 = arith.maximumf %parallel_loop3A_155, %parallel_loop3A_157 : vector<16xf32>
        %parallel_loop3A_159 = arith.mulf %parallel_loop3A_151, %parallel_loop3A_158 : vector<16xf32>
        %parallel_loop3A_160 = tpu.bitcast %parallel_loop3A_138 : vector<16xf32> -> vector<16xi32>
        %parallel_loop3A_161 = arith.constant 2147483647 : i32
        %parallel_loop3A_162 = vector.broadcast %parallel_loop3A_161 : i32 to vector<16xi32>
        %parallel_loop3A_163 = arith.andi %parallel_loop3A_160, %parallel_loop3A_162 : vector<16xi32>
        %parallel_loop3A_164 = arith.cmpi sge, %parallel_loop3A_163, %cond3A_89 : vector<16xi32>
        %parallel_loop3A_165 = arith.constant 0.000000e+00 : f32
        %parallel_loop3A_166 = vector.broadcast %parallel_loop3A_165 : f32 to vector<16xf32>
        %parallel_loop3A_167 = arith.select %parallel_loop3A_164, %parallel_loop3A_159, %parallel_loop3A_166 : vector<16xi1>, vector<16xf32>
        %parallel_loop3A_168 = arith.constant 16 : i32
        %parallel_loop3A_169 = arith.muli %parallel_loop3A_93, %parallel_loop3A_168 : i32
        %parallel_loop3A_170 = arith.index_cast %parallel_loop3A_169 : i32 to index
        %parallel_loop3A_171 = tpu.vector_load %arg10[%parallel_loop3A_170] {strides = array<i32>} : memref<10240xf32, #tpu.memory_space<vmem>>, vector<16xf32>,
        tpu.vector_store %arg10[%parallel_loop3A_170], %parallel_loop3A_167 {strides = array<i32>} : memref<10240xf32, #tpu.memory_space<vmem>>, vector<16xf32>,
      } {sc.loop_unroll_factor = 4 : i64, sc.parallel_access}
    }
    %scan3A_35 = arith.constant 16 : i32
    tpu.wait_dma2 semaphore(%arg18 : memref<!tpu.dma_semaphore, #tpu.memory_space<semaphore_mem>>) src(%arg6 : memref<80x128xf32, #tpu.memory_space<hbm>>) dst(%arg11 : memref<80x128xf32, #tpu.memory_space<vmem>>)
    %eq3A = arith.constant 0 : i32
    %eq3A_36 = arith.cmpi eq, %arg0, %eq3A : i32
    %convert_element_type3A_37 = arith.extui %eq3A_36 : i1 to i32
    %cond3A_38 = arith.constant 0 : i32
    %cond3A_39 = arith.cmpi ne, %convert_element_type3A_37, %cond3A_38 : i32
    scf.if %cond3A_39 {
      %mul3A_40 = arith.constant 640 : i32
      %mul3A_41 = arith.muli %arg1, %mul3A_40 : i32
      %mul3A_42 = arith.constant 640 : i32
      %mul3A_43 = arith.muli %arg1, %mul3A_42 : i32
      "tpu.region"() ({
        %run_scoped3A = tpu.sem_alloc : memref<!tpu.dma_semaphore, #tpu.memory_space<semaphore_mem>>
        %dma_start3A = tpu.memref_slice %arg10[%mul3A_41] : memref<10240xf32, #tpu.memory_space<vmem>> -> memref<640xf32, #tpu.memory_space<vmem>>
        %dma_start3A_44 = tpu.memref_slice %arg7[%mul3A_43] : memref<10240xf32, #tpu.memory_space<hbm>> -> memref<640xf32, #tpu.memory_space<hbm>>
        %dma_start3A_45 = tpu.memref_slice %arg7[%mul3A_43] : memref<10240xf32, #tpu.memory_space<hbm>> -> memref<640xf32, #tpu.memory_space<hbm>>
        %dma_start3A_46 = tpu.memref_slice %arg10[%mul3A_41] : memref<10240xf32, #tpu.memory_space<vmem>> -> memref<640xf32, #tpu.memory_space<vmem>>
        tpu.enqueue_dma source(%dma_start3A_46 : memref<640xf32, #tpu.memory_space<vmem>>) target(%dma_start3A_45 : memref<640xf32, #tpu.memory_space<hbm>>) target_semaphore(%run_scoped3A : memref<!tpu.dma_semaphore, #tpu.memory_space<semaphore_mem>>)
        %dma_wait3A = tpu.memref_slice %arg10[%mul3A_41] : memref<10240xf32, #tpu.memory_space<vmem>> -> memref<640xf32, #tpu.memory_space<vmem>>
        %dma_wait3A_47 = tpu.memref_slice %arg7[%mul3A_43] : memref<10240xf32, #tpu.memory_space<hbm>> -> memref<640xf32, #tpu.memory_space<hbm>>
        %dma_wait3A_48 = tpu.memref_slice %arg7[%mul3A_43] : memref<10240xf32, #tpu.memory_space<hbm>> -> memref<640xf32, #tpu.memory_space<hbm>>
        %dma_wait3A_49 = tpu.memref_slice %arg10[%mul3A_41] : memref<10240xf32, #tpu.memory_space<vmem>> -> memref<640xf32, #tpu.memory_space<vmem>>
        tpu.wait_dma2 semaphore(%run_scoped3A : memref<!tpu.dma_semaphore, #tpu.memory_space<semaphore_mem>>) src(%dma_wait3A_49 : memref<640xf32, #tpu.memory_space<vmem>>) dst(%dma_wait3A_48 : memref<640xf32, #tpu.memory_space<hbm>>)
        tpu.yield
      }) : () -> ()
    } else {
    }
    return
  }
}

</mosaic_0001>

<sc_bundles>
// kernel: _run.3.cloned.1.call-start
scs
__scs_entry_jumppad:
0x0: {  	(pc) =	sbr.rel $0x88, $3  }
0x1: {  	(tag) =	ssettag $0x0;
	lr =	simm.s32 $0x1  }
0x2: {  	[smem:$0x3F9C] =	sst lr;
	_ =	strace $0xD0000000  }
0x3: {  	_ = 	snop  }
0x4: {  	_ = 	snop  }
0x5: {  	_ = 	snop  }
0x6: {  	_ = 	snop  }
0x7: {  	_ = 	snop  }
__scs_overlays_trampoline_lowered:
0x8: {  	[smem:$0x3FAB] =	sst s0  }
0x9: {  	[smem:$0x3FAC] =	sst s1  }
0xa: {  	[smem:$0x3FAD] =	sst s2  }
0xb: {  	[smem:$0x3FAE] =	sst s3  }
0xc: {  	[smem:$0x3FAF] =	sst s4  }
0xd: {  	[smem:$0x3FB0] =	sst s5  }
0xe: {  	[smem:$0x3FB1] =	sst s6  }
0xf: {  	[smem:$0x3FB2] =	sst s7  }
0x10: {  	[smem:$0x3FB3] =	sst s8  }
0x11: {  	[smem:$0x3FB4] =	sst s9;
	s0 =	simm.s32 @!p0 $0x0  }
0x12: {  	s1 =	sld [smem:$0x3F9A];
	s0 =	simm.s32 @p0 $0x1  }
0x13: {  	[smem:$0x3FB5] =	sst s0;
	s0 =	simm.s32 @!p1 $0x0  }
0x14: {  	s2 =	sld [smem:$0x3F99];
	s0 =	simm.s32 @p1 $0x1  }
0x15: {  	[smem:$0x3FB6] =	sst s0;
	s0 =	simm.s32 @!p2 $0x0  }
0x16: {  	s3 =	sld [smem:$0x3FDB];
	s0 =	simm.s32 @p2 $0x1  }
0x17: {  	s4 =	simm.s32 $0x1BF5;
	[smem:$0x3FB8] =	sst s0  }
0x18: {  	s0 =	sld [smem:$0x3F9B];
	_ =	swait.ge [sflag:s4], $0x0  }
0x19: {  	s7 =	sld [smem:$0x3F9C]  }
0x1a: {  	s8 =	sadd.s32 $0xFFFFE003, lr  }
0x1b: {  	s9 =	sadd.s32 $0xFFFFFEF7, lr;
	s5 =	simm.s32 $0xFFFFFFFF;
	p2 =	slt.u32 s8, $0xFFFFF086  }
0x1c: {  	p1 =	slt.u32 s9, $0xF7A;
	s5 =	simm.s32 @!p2 $0x0  }
0x1d: {  	s5 =	simm.s32 @p1 $0x1;
	p0 =	seq.s32 s7, s2  }
0x1e: {  	s7 =	smul.u32 @!p0 $0xF7A, s2;
	p2 =	seq.s32 @!p0 s5, $0x0  }
0x1f: {  	s9 =	smul.u32 $0xF7A, s1;
	s8 =	simm.s32 @!p0 $0x1BF5;
	p2 =	por !p2, p0  }
0x20: {  	[sflag:s8] =	ssyncset.s32 @!p0 $0xFFFFF086;
	s6 =	sadd.s32 @!p0 s3, s7;
	s7 =	simm.s32 @!p0 $0x108  }
0x21: {  	s3 =	sadd.s32 s3, s9;
	s6 =	sadd.s32 @!p0 $0x88, s6;
	s7 =	simm.s32 @p2 $0x1082  }
0x22: {  	[simem:s7], [sflag:s8] =	dma.local @!p0 [hbm:s6], $0xF7A  }
0x23: {  	s9 =	sor.u32 $0xD0000000, s2;
	s6 =	simm.s32 $0x108;
	_ =	swait.ge @!p0 [sflag:s8], $0x0  }
0x24: {  	s3 =	sadd.s32 $0x88, s3;
	s6 =	simm.s32 @!p1 $0x1082;
	[sflag:s4] =	ssyncset.s32 $0xFFFFF086  }
0x25: {  	[simem:s6], [sflag:s4] =	dma.local [hbm:s3], $0xF7A  }
0x26: {  	[smem:$0x3F9C] =	sst s1;
	(tag) =	ssettag s2;
	_ =	strace s9  }
0x27: {  	s1 =	sld [smem:$0x3FAC]  }
0x28: {  	s2 =	sld [smem:$0x3FAD]  }
0x29: {  	s4 =	sld [smem:$0x3FAF]  }
0x2a: {  	p0 =	seq.s32 s5, $0x0;
	s5 =	sld [smem:$0x3FB0]  }
0x2b: {  	s6 =	sld [smem:$0x3FB1]  }
0x2c: {  	s7 =	sld [smem:$0x3FB2]  }
0x2d: {  	s3 =	simm.s32 $0x108;
	s8 =	sld [smem:$0x3FB3]  }
0x2e: {  	s3 =	simm.s32 @!p0 $0x1082;
	s9 =	sld [smem:$0x3FB4]  }
0x2f: {  	lr =	sadd.s32 s0, s3;
	s0 =	sld [smem:$0x3FAB]  }
0x30: {  	s3 =	sld [smem:$0x3FAE]  }
0x31: {  	[smem:$0x3FB7] =	sst s10  }
0x32: {  	s10 =	sld [smem:$0x3FB5];
	_ =	sdelay $0x3  }
0x33: {  	p0 =	seq.s32 s10, $0x1;
	s10 =	sld [smem:$0x3FB7];
	_ =	sdelay $0x3  }
0x34: {  	[smem:$0x3FB7] =	sst s10  }
0x35: {  	s10 =	sld [smem:$0x3FB6];
	_ =	sdelay $0x3  }
0x36: {  	p1 =	seq.s32 s10, $0x1;
	s10 =	sld [smem:$0x3FB7];
	_ =	sdelay $0x3  }
0x37: {  	[smem:$0x3FB7] =	sst s10  }
0x38: {  	s10 =	sld [smem:$0x3FB8]  }
0x39: {  	_ = 	snop;
	(pc) =	sbr.ind lr, $3  }
0x3a: {  	_ = 	snop  }
0x3b: {  	_ = 	snop  }
0x3c: {  	p2 =	seq.s32 s10, $0x1;
	s10 =	sld [smem:$0x3FB7]  }
0x3d: {  	_ =	shalt  }
0x3e: {  	_ =	shalt  }
0x3f: {  	_ =	shalt  }
0x40: {  	_ =	shalt  }
0x41: {  	_ =	shalt  }
0x42: {  	_ =	shalt  }
0x43: {  	_ =	shalt  }
0x44: {  	_ =	shalt  }
0x45: {  	_ =	shalt  }
0x46: {  	_ =	shalt  }
0x47: {  	_ =	shalt  }
0x48: {  	_ =	shalt  }
0x49: {  	_ =	shalt  }
0x4a: {  	_ =	shalt  }
0x4b: {  	_ =	shalt  }
0x4c: {  	_ =	shalt  }
0x4d: {  	_ =	shalt  }
0x4e: {  	_ =	shalt  }
0x4f: {  	_ =	shalt  }
0x50: {  	_ =	shalt  }
0x51: {  	_ =	shalt  }
0x52: {  	_ =	shalt  }
0x53: {  	_ =	shalt  }
0x54: {  	_ =	shalt  }
0x55: {  	_ =	shalt  }
0x56: {  	_ =	shalt  }
0x57: {  	_ =	shalt  }
0x58: {  	_ =	shalt  }
0x59: {  	_ =	shalt  }
0x5a: {  	_ =	shalt  }
0x5b: {  	_ =	shalt  }
0x5c: {  	_ =	shalt  }
0x5d: {  	_ =	shalt  }
0x5e: {  	_ =	shalt  }
0x5f: {  	_ =	shalt  }
0x60: {  	_ =	shalt  }
0x61: {  	_ =	shalt  }
0x62: {  	_ =	shalt  }
0x63: {  	_ =	shalt  }
0x64: {  	_ =	shalt  }
0x65: {  	_ =	shalt  }
0x66: {  	_ =	shalt  }
0x67: {  	_ =	shalt  }
0x68: {  	_ =	shalt  }
0x69: {  	_ =	shalt  }
0x6a: {  	_ =	shalt  }
0x6b: {  	_ =	shalt  }
0x6c: {  	_ =	shalt  }
0x6d: {  	_ =	shalt  }
0x6e: {  	_ =	shalt  }
0x6f: {  	_ =	shalt  }
0x70: {  	_ =	shalt  }
0x71: {  	_ =	shalt  }
0x72: {  	_ =	shalt  }
0x73: {  	_ =	shalt  }
0x74: {  	_ =	shalt  }
0x75: {  	_ =	shalt  }
0x76: {  	_ =	shalt  }
0x77: {  	_ =	shalt  }
0x78: {  	_ =	shalt  }
0x79: {  	_ =	shalt  }
0x7a: {  	_ =	shalt  }
0x7b: {  	_ =	shalt  }
0x7c: {  	_ =	shalt  }
0x7d: {  	_ =	shalt  }
0x7e: {  	_ =	shalt  }
0x7f: {  	_ =	shalt  }
0x80: {  	_ =	shalt  }
0x81: {  	_ =	shalt  }
0x82: {  	_ =	shalt  }
0x83: {  	_ =	shalt  }
0x84: {  	_ =	shalt  }
0x85: {  	_ =	shalt  }
0x86: {  	_ =	shalt  }
0x87: {  	_ =	shalt  }
.Lfunc_end0:
.L_simem_size_0:
called_computation_lowered:
.L_overlay_start_0:
0x88: {  	s2 =	sld [smem:$0x3FD9]  }
0x89: {  	s3 =	sld [smem:$0x3FFE];
	_ =	sdelay $0x1  }
0x8a: {  	s1 =	srdreg.scid  }
0x8b: {  	s0 =	sand.u32 $0x1, s1  }
0x8c: {  	s18 =	sshll.u32 s0, $0xA;
	s2 =	sadd.s32 s3, s2  }
0x8d: {  	s2 =	sadd.s32 s2, s18  }
0x8e: {  	[smem:$0x3FC3] =	sst s2  }
0x8f: {  	_ = 	snop  }
0x90: {  	s2 =	sld [smem:$0x3FC9]  }
0x91: {  	s19 =	sld [smem:$0x3FC8]  }
0x92: {  	s4 =	sld [smem:$0x3FC7]  }
0x93: {  	s5 =	sld [smem:$0x3FC6]  }
0x94: {  	s6 =	sld [smem:$0x3FC5]  }
0x95: {  	s7 =	sld [smem:$0x3FD0];
	(tm) =	ssettm $0x1  }
0x96: {  	s8 =	sld [smem:$0x3FFB];
	_ =	sdelay $0x3  }
0x97: {  	_ =	strace s8  }
0x98: {  	s8 =	sld [smem:$0x3FFC];
	_ =	sdelay $0x3  }
0x99: {  	_ =	strace s8  }
0x9a: {  	s8 =	sld [smem:$0x3FFD];
	_ =	sdelay $0x3  }
0x9b: {  	_ =	strace s8  }
0x9c: {  	_ =	strace $0x8FFFFFFF  }
0x9d: {  	s20 =	sld [smem:$0x3FDB];
	_ =	sdelay $0x1  }
0x9e: {  	s9 =	simm.s32 $_scs_section_size  }
0x9f: {  	s10 =	simm.s32 $_size__tile_overlayer_lowered;
	s11 =	simm.s32 $_tile_overlayer_lowered  }
0xa0: {  	s23 =	simm.s32 $0x1BFF;
	s22 =	sshll.u32 s11, $0x1;
	s8 =	sadd.s32 s9, s20  }
0xa1: {  	s12 =	simm.s32 $0x0;
	s21 =	sshll.u32 s10, $0x1;
	s10 =	sadd.s32 s22, s8  }
0xa2: {  	[timem:s12], [sflag:s23] =	dma.local [hbm:s10], s21  }
0xa3: {  	_ =	swait.ge [sflag:s23], s21  }
0xa4: {  	s9 =	ssub.s32 $0x0, s21;
	[sflag:s23] =	ssyncset.done $0x0  }
0xa5: {  	[sflag:s23] =	ssyncadd.s32 s9;
	_ =	sdelay $0x1  }
0xa6: {  	s24 =	simm.s32 $0x1B8B  }
0xa7: {  	_ =	swait.ge [sflag:s24], $0x1  }
0xa8: {  	[sflag:s24] =	ssyncset.done $0x0  }
0xa9: {  	s25 =	simm.s32 $0x1B8E;
	[sflag:s24] =	ssyncadd.s32 $0xFFFFFFFF  }
0xaa: {  	s26 =	simm.s32 $execute0_lowered;
	[smem:$0x3FD2] =	sst s25  }
0xab: {  	s9 =	sshll.u32 s26, $0x1;
	_ =	strace $0x80000046;
	[dreg:$0x1] =	wrdreg $0xFFFFFFFF  }
0xac: {  	s28 =	simm.s32 $_size_execute0_lowered;
	s8 =	sadd.s32 s8, s9;
	[dreg:$0x0] =	wrdreg $0x0  }
0xad: {  	s9 =	sshll.u32 s28, $0x1;
	[dreg:$0x2] =	wrdreg s8  }
0xae: {  	[dreg:$0x3] =	wrdreg s9  }
0xaf: {  	[dreg:$0x4] =	wrdreg $0xC0  }
0xb0: {  	_ =	task [dreg:s12], $0x5FFFF  }
0xb1: {  	[dreg:$0x1] =	wrdreg $0xFFFFFFFF  }
0xb2: {  	[dreg:$0x0] =	wrdreg $0x60  }
0xb3: {  	[dreg:$0x2] =	wrdreg s2  }
0xb4: {  	[dreg:$0x3] =	wrdreg s19  }
0xb5: {  	[dreg:$0x4] =	wrdreg s4  }
0xb6: {  	[dreg:$0x5] =	wrdreg s5  }
0xb7: {  	[dreg:$0x6] =	wrdreg s6  }
0xb8: {  	[dreg:$0x7] =	wrdreg s7  }
0xb9: {  	[dreg:$0x8] =	wrdreg $0x1DB800  }
0xba: {  	[dreg:$0x9] =	wrdreg $0x9  }
0xbb: {  	_ =	task.clear_ibuf [dreg:s12], $0xAFFFF;
	_ =	strace $0x90000046  }
0xbc: {  	s29 =	simm.s32 $0x9;
	_ =	strace $0x80000048  }
0xbd: {  	_ =	swait.ge [sflag:s29], $0x1  }
0xbe: {  	[sflag:s29] =	ssyncadd.s32 $0xFFFFFFFF  }
0xbf: {  	_ =	strace $0x90000048  }
0xc0: {  	_ =	sfence  }
0xc1: {  	s30 =	sld [smem:$0x0];
	_ =	sdelay $0x2  }
0xc2: {  	s31 =	sshll.u32 s1, $0xD;
	s1 =	sshrl.u32 s1, $0x2  }
0xc3: {  	s3 =	sand.u32 $0x4000, s31;
	s1 =	sadd.s32 s1, s30  }
0xc4: {  	s0 =	sor.u32 s3, s0;
	s1 =	sshll.u32 s1, $0x11  }
0xc5: {  	s0 =	sor.u32 s1, s0  }
0xc6: {  	s0 =	sadd.s32 $0x8F2B, s0  }
0xc7: {  	[sflag:s0] =	ssyncadd.remote.s32 $0x1  }
0xc8: {  	_ =	sfence.sel $0xFFFF  }
0xc9: {  	[dreg:$0x0] =	wrdreg $0xFFFFFFFF;
	(pc) =	sbr.abs _section_cstart, $3  }
0xca: {  	[dreg:$0x1] =	wrdreg $0xFFFFFFFF  }
0xcb: {  	_ =	task.clear_ibuf [dreg:s12], $0x2FFFF;
	_ =	strace $0x9FFFFFFF  }
0xcc: {  	(tm) =	ssettm $0x7FFFFFFF  }
0xcd: {  	_ =	shalt  }
tec
execute0_lowered:
.L_overlay_start_1:
0x0: {  	(tag) =	ssettag $0x1  }
0x1: {  	s0 =	rddreg [dreg:$0x0]  }
0x2: {  	s1 =	rddreg [dreg:$0x1]  }
0x3: {  	s3 =	rddreg [dreg:$0x4]  }
0x4: {  	s2 =	rddreg [dreg:$0x5]  }
0x5: {  	s4 =	rddreg [dreg:$0x6];
	s5 =	srdreg.scid  }
0x6: {  	s6 =	simm.s32 $0x0;
	s11 =	stileid.u32;
	s14 =	simm.s32 $0x2  }
0x7: {  	s16 =	simm.s32 $0x13900;
	s18 =	simm.s32 $0x16100;
	s22 =	simm.s32 $0x1  }
0x8: {  	s28 =	simm.s32 $0x1B100;
	s29 =	simm.s32 $0x0;
	s5 =	sand.u32 $0x1, s5  }
0x9: {  	[smem:$0x7FF] =	sst s6;
	s9 =	smul.u32 $0x1388, s11;
	s23 =	sshll.u32 s11, $0xA  }
0xa: {  	s24 =	smul.u32 $0x280, s11;
	s25 =	sshll.u32 s11, $0x7;
	p0 =	sgt.u32 s11, $0x9  }
0xb: {  	s7 =	ssub.s32 $0x2, s5;
	_ =	strace $0x80000047;
	s10 =	sadd.s32 s3, s25  }
0xc: {  	p1 =	sne.s32 s5, $0x0;
	s25 =	simm.s32 $0x18900;
	s8 =	sshrl.u32 s7, $0x1  }
0xd: {  	s0 =	sadd.s32 s0, s9;
	s1 =	sadd.s32 s1, s9;
	s9 =	sadd.s32 s23, s4  }
0xe: {  	s26 =	sshrl.u32 s24, $0x3;
	s30 =	sadd.s32 $0x13900, s24;
	[dreg:$0x8] =	wrdreg s0  }
0xf: {  	s23 =	simm.s32 $0x50;
	s7 =	ssub.s32 s7, s8;
	[dreg:$0x9] =	wrdreg s1  }
.Ltmp0:
0x10: {  	s1 =	sadd.s32 s2, s26;
	[dreg:$0xb] =	wrdreg s30;
	(pc) =	sbr.rel .LBB2_1-.Ltmp0, $4  }
0x11: {  	v0 =	vlaneseq.u32;
	s0 =	sadd.s32 $0x2800, s9;
	[dreg:$0xa] =	wrdreg s1;
	s31 =	smax.u32 s7, $0x1  }
0x12: {  	v5 =	vimm.s32 $0x0;
	v8 =	vimm.f32 $1.000000000e+00;
	v6 =	vimm.f32 $0.0e+00;
	s1 =	sshll.u32 @!p0 s11, $0x6;
	s0 =	sshrl.u32 @!p0 s0, $0x3;
	[dreg:$0xc] =	wrdreg s31  }
0x13: {  	v7 =	vimm.s32 $0x1;
	v1 =	vor.u32 $0x10, v0;
	v2 =	vor.u32 $0x20, v0;
	s19 =	sor.u32 @!p0 $0x1C02, s1;
	s1 =	sshrl.u32 @!p0 s9, $0x3;
	[dreg:$0xe] =	wrdreg s0  }
0x14: {  	v3 =	vor.u32 $0x30, v0;
	v4 =	vor.u32 $0x40, v0;
	v8 =	vand.u32 $0x7FFFFFFF, v8;
	s24 =	simm.s32 $0x1D980;
	s26 =	simm.s32 $0x1DA80;
	[dreg:$0xd] =	wrdreg s1  }
.LBB2_43:
0x15: {  	_ =	swait.ge [sflag:s22], $0x2800  }
0x16: {  	[sflag:s22] =	ssyncset.done $0x0;
	s1 =	rddreg [dreg:$0xa]  }
0x17: {  	s0 =	simm.s32 @!p1 $0x0;
	s2 =	rddreg [dreg:$0xb];
	[sflag:s22] =	ssyncadd.s32 $0xFFFFD800  }
0x18: {  	[hbm4b:s1+s0] =	stream.linear.scatter @!p1 [tilespmem:s2], [sflag:$0x2], $0x280, $0x38;
	[tilespmem:$0x1E080] =	vst v63  }
0x19: {  	s0 =	simm.s32 @!p1 $0x2  }
0x1a: {  	_ =	swait.ge @!p1 [sflag:s0], $0x280  }
0x1b: {  	s29 =	sadd.s32 $0x1, s29;
	s31 =	rddreg [dreg:$0xc]  }
0x1c: {  	p2 =	sne.s32 s29, s31  }
.Ltmp1:
0x1d: {  	_ = 	snop;
	(pc) =	sbr.rel @!p2 .LBB2_44-.Ltmp1, $3  }
0x1e: {  	_ =	sdelay $0x1  }
0x1f: {  	[sflag:s0] =	ssyncset.done @!p1 $0x0  }
0x20: {  	[sflag:s0] =	ssyncadd.s32 @!p1 $0xFFFFFD80  }
.LBB2_1:
0x21: {  	s0 =	rddreg [dreg:$0x8]  }
0x22: {  	[tilespmem:s6], [sflag:$0x2] =	stream.linear.gather [hbm4b:s0+s6], $0x9C40, $0x38;
	[tilespmem:$0x1E080] =	vst v63  }
0x23: {  	_ =	swait.ge [sflag:s14], $0x9C40  }
0x24: {  	[sflag:s14] =	ssyncset.done $0x0  }
0x25: {  	s1 =	simm.s32 $0x9C80;
	s17 =	rddreg [dreg:$0x9];
	[sflag:s14] =	ssyncadd.s32 $0xFFFF63C0  }
0x26: {  	[tilespmem:s1], [sflag:$0x2] =	stream.linear.gather [hbm4b:s17+s6], $0x9C40, $0x38;
	[tilespmem:$0x1E080] =	vst v63  }
0x27: {  	_ =	swait.ge [sflag:s14], $0x9C40  }
0x28: {  	[sflag:s14] =	ssyncset.done $0x0  }
0x29: {  	[sflag:s14] =	ssyncadd.s32 $0xFFFF63C0  }
0x2a: {  	s20 =	rddreg [dreg:$0x2]  }
0x2b: {  	[tilespmem:s16], [sflag:$0x2] =	stream.linear.gather [hbm4b:s20+s6], $0x2800, $0x38;
	[tilespmem:$0x1E080] =	vst v63  }
0x2c: {  	_ =	swait.ge [sflag:s14], $0x2800  }
0x2d: {  	[sflag:s14] =	ssyncset.done $0x0  }
0x2e: {  	[sflag:s14] =	ssyncadd.s32 $0xFFFFD800  }
0x2f: {  	s31 =	simm.s32 $0x1DA00;
	s21 =	rddreg [dreg:$0x3]  }
0x30: {  	[tilespmem:s31], [sflag:$0x2] =	stream.linear.gather [hbm4b:s21+s6], $0x80, $0x38;
	[tilespmem:$0x1E080] =	vst v63  }
0x31: {  	_ =	swait.ge [sflag:s14], $0x80  }
0x32: {  	[sflag:s14] =	ssyncset.done $0x0  }
0x33: {  	[sflag:s14] =	ssyncadd.s32 $0xFFFFFF80  }
0x34: {  	[tilespmem:s18], [sflag:$0x1] =	stream.linear.gather [hbm4b:s3+s6], $0x2800, $0x38;
	[tilespmem:$0x1E080] =	vst v63  }
0x35: {  	[tilespmem:$0x1D980] =	vst v0  }
0x36: {  	[tilespmem:$0x1D990] =	vst v1  }
0x37: {  	[tilespmem:$0x1D9A0] =	vst v2  }
0x38: {  	[tilespmem:$0x1D9B0] =	vst v3  }
0x39: {  	s0 =	rddreg [dreg:$0xd];
	[tilespmem:$0x1D9C0] =	vst v4  }
0x3a: {  	[spmem:s0], [sflag:s19] =	dma.local @!p0 [hbm:s10], $0x80  }
0x3b: {  	s0 =	simm.s32 @!p0 $0x2  }
0x3c: {  	_ =	swait.ge @!p0 [sflag:s0], $0x80  }
0x3d: {  	[sflag:s0] =	ssyncset.done @!p0 $0x0  }
0x3e: {  	s1 =	rddreg [dreg:$0xe];
	[sflag:s0] =	ssyncadd.s32 @!p0 $0xFFFFFF80  }
0x3f: {  	[spmem:s1], [sflag:s19] =	dma.local @!p0 [hbm:s10], $0x80  }
0x40: {  	_ =	swait.ge @!p0 [sflag:s0], $0x80  }
0x41: {  	[sflag:s0] =	ssyncset.done @!p0 $0x0  }
0x42: {  	[sflag:s0] =	ssyncadd.s32 @!p0 $0xFFFFFF80  }
0x43: {  	s30 =	simm.s32 $0x0;
	[bflag:$0x0] =	sbarrier.arrive $0xFFFF  }
.LBB2_2:
0x44: {  	_ =	swait.ge [sflag:s22], $0x2800  }
0x45: {  	[sflag:s22] =	ssyncset.done $0x0  }
0x46: {  	s0 =	simm.s32 $0x80;
	[sflag:s22] =	ssyncadd.s32 $0xFFFFD800  }
0x47: {  	v9 =	vld [tilespmem:s0+$0x70]  }
0x48: {  	v10 =	vld [tilespmem:s0+$0xFFFFFF90]  }
0x49: {  	v11 =	vld [tilespmem:s0+$0xFFFFFFA0]  }
0x4a: {  	v12 =	vld [tilespmem:s0+$0xFFFFFFB0]  }
0x4b: {  	v13 =	vld [tilespmem:s0+$0xFFFFFFC0]  }
0x4c: {  	v14 =	vld [tilespmem:s0+$0xFFFFFFD0]  }
0x4d: {  	v16 =	vld [tilespmem:s0+$0xFFFFFFE0]  }
0x4e: {  	v17 =	vld [tilespmem:s0+$0xFFFFFFF0]  }
0x4f: {  	v18 =	vld [tilespmem:s0+$0x0]  }
0x50: {  	s31 =	simm.s32 $0x9D00;
	v19 =	vld [tilespmem:s0+$0x10]  }
0x51: {  	v20 =	vld [tilespmem:s31+$0x70]  }
0x52: {  	v21 =	vld [tilespmem:s0+$0x20]  }
0x53: {  	v22 =	vld [tilespmem:s0+$0x30]  }
0x54: {  	v24 =	vld [tilespmem:s0+$0x40]  }
0x55: {  	v26 =	vld [tilespmem:s0+$0x50]  }
0x56: {  	v28 =	vld [tilespmem:s0+$0x60]  }
0x57: {  	v29 =	vld [tilespmem:s0+$0xFFFFFF80]  }
0x58: {  	v39 =	vld [tilespmem:s31+$0xFFFFFF80]  }
0x59: {  	v40 =	vld [tilespmem:s31+$0xFFFFFF90]  }
0x5a: {  	v41 =	vld [tilespmem:s31+$0xFFFFFFA0]  }
0x5b: {  	v42 =	vld [tilespmem:s31+$0xFFFFFFB0]  }
0x5c: {  	v43 =	vld [tilespmem:s31+$0xFFFFFFC0]  }
0x5d: {  	v62 =	vld [tilespmem:s31+$0xFFFFFFD0]  }
0x5e: {  	v63 =	vld [tilespmem:s31+$0xFFFFFFE0]  }
0x5f: {  	v45 =	vld [tilespmem:s31+$0xFFFFFFF0]  }
0x60: {  	v46 =	vld [tilespmem:s31+$0x0]  }
0x61: {  	v48 =	vld [tilespmem:s31+$0x20];
	v15 =	vand.u32 $0x3FFF, v9  }
0x62: {  	v49 =	vld [tilespmem:s31+$0x30];
	v23 =	vand.u32 $0x3FFF, v10  }
0x63: {  	v50 =	vld [tilespmem:s31+$0x40];
	v25 =	vand.u32 $0x3FFF, v11  }
0x64: {  	v53 =	vld [tilespmem:s31+$0x50];
	v27 =	vand.u32 $0x3FFF, v12  }
0x65: {  	v54 =	vld [tilespmem:s31+$0x60];
	v30 =	vand.u32 $0x3FFF, v14  }
0x66: {  	v61 =	vand.u32 $0x3FFF, v17;
	v15 =	vld.idx.msk [tilespmem:v15+s16+$0x0], $0xffff  }
0x67: {  	v31 =	vand.u32 $0x3FFF, v18;
	v60 =	vld.idx.msk [tilespmem:v23+s16+$0x0], $0xffff  }
0x68: {  	v32 =	vand.u32 $0x3FFF, v29;
	v25 =	vld.idx.msk [tilespmem:v25+s16+$0x0], $0xffff  }
0x69: {  	v33 =	vand.u32 $0x3FFF, v19;
	v27 =	vld.idx.msk [tilespmem:v27+s16+$0x0], $0xffff  }
0x6a: {  	v34 =	vand.u32 $0x3FFF, v21;
	v30 =	vld.idx.msk [tilespmem:v30+s16+$0x0], $0xffff  }
0x6b: {  	v35 =	vand.u32 $0x3FFF, v22;
	v23 =	vld.idx.msk [tilespmem:v61+s16+$0x0], $0xffff  }
0x6c: {  	v36 =	vand.u32 $0x3FFF, v24;
	v31 =	vld.idx.msk [tilespmem:v31+s16+$0x0], $0xffff  }
0x6d: {  	v37 =	vand.u32 $0x3FFF, v26;
	v32 =	vld.idx.msk [tilespmem:v32+s16+$0x0], $0xffff  }
0x6e: {  	v38 =	vand.u32 $0x3FFF, v28;
	v33 =	vld.idx.msk [tilespmem:v33+s16+$0x0], $0xffff  }
0x6f: {  	v59 =	vand.u32 $0x3FFF, v13;
	v34 =	vld.idx.msk [tilespmem:v34+s16+$0x0], $0xffff  }
0x70: {  	v9 =	vshrl.u32 v9, $0xE;
	v35 =	vld.idx.msk [tilespmem:v35+s16+$0x0], $0xffff  }
0x71: {  	v29 =	vshrl.u32 v29, $0xE;
	v36 =	vld.idx.msk [tilespmem:v36+s16+$0x0], $0xffff  }
0x72: {  	v11 =	vshrl.u32 v11, $0xE;
	v37 =	vld.idx.msk [tilespmem:v37+s16+$0x0], $0xffff  }
0x73: {  	v12 =	vshrl.u32 v12, $0xE;
	v38 =	vld.idx.msk [tilespmem:v38+s16+$0x0], $0xffff;
	v15 =	vmul.f32 v15, v20  }
0x74: {  	v10 =	vshrl.u32 v10, $0xE;
	v20 =	vld.idx.msk [tilespmem:v59+s16+$0x0], $0xffff;
	v32 =	vmul.f32 v32, v39  }
0x75: {  	v47 =	vmul.f32 v25, v41;
	[tilespmem:v9+s18+$0x0] =	vst.idx.add.f32.msk $0xffff, v15;
	v9 =	vand.u32 $0x3FFF, v16  }
0x76: {  	v52 =	vmul.f32 v27, v42;
	[tilespmem:v29+s18+$0x0] =	vst.idx.add.f32.msk $0xffff, v32  }
0x77: {  	v17 =	vshrl.u32 v17, $0xE;
	v15 =	vmul.f32 v60, v40;
	[tilespmem:v11+s18+$0x0] =	vst.idx.add.f32.msk $0xffff, v47  }
0x78: {  	v18 =	vshrl.u32 v18, $0xE;
	[tilespmem:v12+s18+$0x0] =	vst.idx.add.f32.msk $0xffff, v52  }
0x79: {  	v11 =	vshrl.u32 v14, $0xE;
	[tilespmem:v10+s18+$0x0] =	vst.idx.add.f32.msk $0xffff, v15  }
0x7a: {  	v56 =	vshrl.u32 v21, $0xE;
	v57 =	vmul.f32 v23, v45;
	v9 =	vld.idx.msk [tilespmem:v9+s16+$0x0], $0xffff  }
0x7b: {  	v13 =	vshrl.u32 v13, $0xE;
	v58 =	vmul.f32 v31, v46;
	v10 =	vld [tilespmem:s31+$0x10]  }
0x7c: {  	v51 =	vshrl.u32 v16, $0xE;
	v30 =	vmul.f32 v30, v62;
	[tilespmem:v17+s18+$0x0] =	vst.idx.add.f32.msk $0xffff, v57  }
0x7d: {  	v55 =	vshrl.u32 v19, $0xE;
	v60 =	vmul.f32 v34, v48;
	[tilespmem:v18+s18+$0x0] =	vst.idx.add.f32.msk $0xffff, v58  }
0x7e: {  	v20 =	vmul.f32 v20, v43;
	[tilespmem:v11+s18+$0x0] =	vst.idx.add.f32.msk $0xffff, v30;
	v11 =	vshrl.u32 v22, $0xE  }
0x7f: {  	v59 =	vshrl.u32 v26, $0xE;
	[tilespmem:v56+s18+$0x0] =	vst.idx.add.f32.msk $0xffff, v60;
	v9 =	vmul.f32 v9, v63  }
0x80: {  	v61 =	vshrl.u32 v28, $0xE;
	[tilespmem:v13+s18+$0x0] =	vst.idx.add.f32.msk $0xffff, v20;
	v10 =	vmul.f32 v33, v10  }
0x81: {  	v62 =	vmul.f32 v35, v49;
	[tilespmem:v51+s18+$0x0] =	vst.idx.add.f32.msk $0xffff, v9;
	v9 =	vshrl.u32 v24, $0xE  }
0x82: {  	[tilespmem:v55+s18+$0x0] =	vst.idx.add.f32.msk $0xffff, v10;
	v63 =	vmul.f32 v37, v53  }
0x83: {  	[tilespmem:v11+s18+$0x0] =	vst.idx.add.f32.msk $0xffff, v62;
	v11 =	vmul.f32 v38, v54  }
0x84: {  	v10 =	vmul.f32 v36, v50;
	[tilespmem:v59+s18+$0x0] =	vst.idx.add.f32.msk $0xffff, v63  }
0x85: {  	[tilespmem:v61+s18+$0x0] =	vst.idx.add.f32.msk $0xffff, v11  }
0x86: {  	s5 =	simm.s32 $0x180;
	s0 =	simm.s32 $0x0;
	[tilespmem:v9+s18+$0x0] =	vst.idx.add.f32.msk $0xffff, v10  }
.LBB2_3:
0x87: {  	v14 =	vld [tilespmem:s5+$0x70];
	s0 =	sadd.s32 $0x10, s0  }
0x88: {  	v10 =	vld [tilespmem:s5+$0xFFFFFF90];
	p2 =	slt.u32 s0, $0x9B0  }
0x89: {  	v11 =	vld [tilespmem:s5+$0xFFFFFFA0]  }
0x8a: {  	v12 =	vld [tilespmem:s5+$0xFFFFFFB0]  }
0x8b: {  	v13 =	vld [tilespmem:s5+$0xFFFFFFC0]  }
0x8c: {  	v15 =	vld [tilespmem:s5+$0xFFFFFFD0];
	v16 =	vand.u32 $0x3FFF, v14  }
0x8d: {  	v9 =	vshrl.u32 v10, $0xE;
	v17 =	vand.u32 $0x3FFF, v10;
	v18 =	vld [tilespmem:s5+$0xFFFFFFE0]  }
0x8e: {  	v10 =	vshrl.u32 v11, $0xE;
	v19 =	vand.u32 $0x3FFF, v11;
	v20 =	vld [tilespmem:s5+$0xFFFFFFF0]  }
0x8f: {  	v11 =	vshrl.u32 v12, $0xE;
	v21 =	vand.u32 $0x3FFF, v12;
	v22 =	vld [tilespmem:s5+$0x0]  }
0x90: {  	v12 =	vshrl.u32 v13, $0xE;
	v23 =	vand.u32 $0x3FFF, v13;
	v24 =	vld [tilespmem:s5+$0x10]  }
0x91: {  	s31 =	sadd.s32 $0x100, s31;
	v13 =	vshrl.u32 v15, $0xE;
	v15 =	vand.u32 $0x3FFF, v15;
	v16 =	vld.idx.msk [tilespmem:v16+s16+$0x0], $0xffff  }
0x92: {  	v25 =	vshrl.u32 v18, $0xE;
	v18 =	vand.u32 $0x3FFF, v18;
	v26 =	vld [tilespmem:s31+$0x70]  }
0x93: {  	v27 =	vshrl.u32 v20, $0xE;
	v20 =	vand.u32 $0x3FFF, v20;
	v28 =	vld [tilespmem:s5+$0x20]  }
0x94: {  	v14 =	vshrl.u32 v14, $0xE;
	v29 =	vshrl.u32 v22, $0xE;
	v22 =	vand.u32 $0x3FFF, v22;
	v30 =	vld [tilespmem:s5+$0x30]  }
0x95: {  	v31 =	vshrl.u32 v24, $0xE;
	v24 =	vand.u32 $0x3FFF, v24;
	v32 =	vld [tilespmem:s5+$0x40]  }
0x96: {  	v33 =	vld [tilespmem:s5+$0x50]  }
0x97: {  	v34 =	vld [tilespmem:s5+$0x60];
	v16 =	vmul.f32 v16, v26  }
0x98: {  	v26 =	vld [tilespmem:s5+$0xFFFFFF80];
	v35 =	vshrl.u32 v28, $0xE;
	v28 =	vand.u32 $0x3FFF, v28  }
0x99: {  	s1 =	simm.s32 $0x0;
	v36 =	vshrl.u32 v30, $0xE;
	v30 =	vand.u32 $0x3FFF, v30;
	[tilespmem:v14+s18+$0x0] =	vst.idx.add.f32.msk $0xffff, v16  }
0x9a: {  	v14 =	vld.idx.msk [tilespmem:v17+s16+$0x0], $0xffff;
	v16 =	vshrl.u32 v32, $0xE;
	v17 =	vand.u32 $0x3FFF, v32  }
0x9b: {  	v19 =	vld.idx.msk [tilespmem:v19+s16+$0x0], $0xffff;
	v32 =	vshrl.u32 v33, $0xE;
	v33 =	vand.u32 $0x3FFF, v33  }
0x9c: {  	v21 =	vld.idx.msk [tilespmem:v21+s16+$0x0], $0xffff;
	v37 =	vshrl.u32 v34, $0xE;
	v34 =	vand.u32 $0x3FFF, v34  }
0x9d: {  	v38 =	vshrl.u32 v26, $0xE;
	v26 =	vand.u32 $0x3FFF, v26;
	v23 =	vld.idx.msk [tilespmem:v23+s16+$0x0], $0xffff  }
0x9e: {  	v15 =	vld.idx.msk [tilespmem:v15+s16+$0x0], $0xffff  }
0x9f: {  	v18 =	vld.idx.msk [tilespmem:v18+s16+$0x0], $0xffff  }
0xa0: {  	v20 =	vld.idx.msk [tilespmem:v20+s16+$0x0], $0xffff  }
0xa1: {  	v22 =	vld.idx.msk [tilespmem:v22+s16+$0x0], $0xffff  }
0xa2: {  	v26 =	vld.idx.msk [tilespmem:v26+s16+$0x0], $0xffff  }
0xa3: {  	v24 =	vld.idx.msk [tilespmem:v24+s16+$0x0], $0xffff  }
0xa4: {  	v28 =	vld.idx.msk [tilespmem:v28+s16+$0x0], $0xffff  }
0xa5: {  	v30 =	vld.idx.msk [tilespmem:v30+s16+$0x0], $0xffff  }
0xa6: {  	v17 =	vld.idx.msk [tilespmem:v17+s16+$0x0], $0xffff  }
0xa7: {  	v33 =	vld.idx.msk [tilespmem:v33+s16+$0x0], $0xffff  }
0xa8: {  	v34 =	vld.idx.msk [tilespmem:v34+s16+$0x0], $0xffff  }
0xa9: {  	v39 =	vld [tilespmem:s31+$0xFFFFFF80]  }
0xaa: {  	v40 =	vld [tilespmem:s31+$0xFFFFFF90]  }
0xab: {  	v41 =	vld [tilespmem:s31+$0xFFFFFFA0]  }
0xac: {  	v42 =	vld [tilespmem:s31+$0xFFFFFFB0]  }
0xad: {  	v43 =	vld [tilespmem:s31+$0xFFFFFFC0]  }
0xae: {  	v26 =	vmul.f32 v26, v39;
	v39 =	vld [tilespmem:s31+$0xFFFFFFD0]  }
0xaf: {  	v14 =	vmul.f32 v14, v40;
	v40 =	vld [tilespmem:s31+$0xFFFFFFE0]  }
0xb0: {  	v19 =	vmul.f32 v19, v41;
	v41 =	vld [tilespmem:s31+$0xFFFFFFF0]  }
0xb1: {  	v21 =	vmul.f32 v21, v42;
	v42 =	vld [tilespmem:s31+$0x0]  }
0xb2: {  	v23 =	vmul.f32 v23, v43;
	v43 =	vld [tilespmem:s31+$0x10]  }
0xb3: {  	v15 =	vmul.f32 v15, v39;
	v39 =	vld [tilespmem:s31+$0x20]  }
0xb4: {  	v18 =	vmul.f32 v18, v40;
	v40 =	vld [tilespmem:s31+$0x30]  }
0xb5: {  	v20 =	vmul.f32 v20, v41;
	v41 =	vld [tilespmem:s31+$0x40]  }
0xb6: {  	v22 =	vmul.f32 v22, v42;
	v42 =	vld [tilespmem:s31+$0x50]  }
0xb7: {  	v24 =	vmul.f32 v24, v43;
	v43 =	vld [tilespmem:s31+$0x60]  }
0xb8: {  	[tilespmem:v38+s18+$0x0] =	vst.idx.add.f32.msk $0xffff, v26;
	v26 =	vmul.f32 v28, v39  }
0xb9: {  	[tilespmem:v9+s18+$0x0] =	vst.idx.add.f32.msk $0xffff, v14;
	v9 =	vmul.f32 v30, v40  }
0xba: {  	[tilespmem:v10+s18+$0x0] =	vst.idx.add.f32.msk $0xffff, v19;
	v10 =	vmul.f32 v17, v41  }
0xbb: {  	[tilespmem:v11+s18+$0x0] =	vst.idx.add.f32.msk $0xffff, v21;
	v11 =	vmul.f32 v33, v42  }
0xbc: {  	[tilespmem:v12+s18+$0x0] =	vst.idx.add.f32.msk $0xffff, v23;
	v12 =	vmul.f32 v34, v43  }
0xbd: {  	[tilespmem:v13+s18+$0x0] =	vst.idx.add.f32.msk $0xffff, v15  }
0xbe: {  	[tilespmem:v25+s18+$0x0] =	vst.idx.add.f32.msk $0xffff, v18  }
0xbf: {  	[tilespmem:v27+s18+$0x0] =	vst.idx.add.f32.msk $0xffff, v20  }
0xc0: {  	[tilespmem:v29+s18+$0x0] =	vst.idx.add.f32.msk $0xffff, v22  }
0xc1: {  	[tilespmem:v31+s18+$0x0] =	vst.idx.add.f32.msk $0xffff, v24  }
.Ltmp2:
0xc2: {  	[tilespmem:v35+s18+$0x0] =	vst.idx.add.f32.msk $0xffff, v26;
	(pc) =	sbr.rel @p2 .LBB2_3-.Ltmp2, $4  }
0xc3: {  	[tilespmem:v36+s18+$0x0] =	vst.idx.add.f32.msk $0xffff, v9  }
0xc4: {  	[tilespmem:v16+s18+$0x0] =	vst.idx.add.f32.msk $0xffff, v10  }
0xc5: {  	[tilespmem:v32+s18+$0x0] =	vst.idx.add.f32.msk $0xffff, v11  }
0xc6: {  	s5 =	sadd.s32 $0x100, s5;
	[tilespmem:v37+s18+$0x0] =	vst.idx.add.f32.msk $0xffff, v12  }
.LBB2_4:
0xc7: {  	s0 =	sshra.s32 s1, $0x2  }
0xc8: {  	v9 =	vld [tilespmem:s0+$0x9C00];
	_ =	sdelay $0x4  }
0xc9: {  	v10 =	vand.u32 $0x3FFF, v9;
	_ =	sdelay $0x3  }
0xca: {  	v11 =	vld [tilespmem:s0+$0x13880]  }
0xcb: {  	v10 =	vld.idx.msk [tilespmem:v10+s16+$0x0], $0xffff;
	_ =	sdelay $0x1  }
0xcc: {  	p2 =	sne.s32 s1, $0xC0;
	v9 =	vshrl.u32 v9, $0xE  }
.Ltmp3:
0xcd: {  	_ = 	snop;
	(pc) =	sbr.rel @p2 .LBB2_4-.Ltmp3, $3  }
0xce: {  	_ = 	snop  }
0xcf: {  	v10 =	vmul.f32 v10, v11;
	_ =	sdelay $0x1  }
0xd0: {  	s1 =	sadd.s32 $0x40, s1;
	[tilespmem:v9+s18+$0x0] =	vst.idx.add.f32.msk $0xffff, v10  }
0xd1: {  	s0 =	sand.u32 $0x1, s30  }
0xd2: {  	s1 =	sxor.u32 @!p0 $0x1, s0  }
0xd3: {  	s1 =	smul.u32 @!p0 $0xA000, s1;
	_ =	sdelay $0x1  }
0xd4: {  	s1 =	sshrl.u32 @!p0 s1, $0x2  }
0xd5: {  	s1 =	sadd.s32 @!p0 s1, s9  }
0xd6: {  	[bflag:$0x0] =	sbarrier.arrive $0xFFFF;
	s1 =	sshrl.u32 @!p0 s1, $0x3  }
0xd7: {  	[spmem:s1], [sflag:s19] =	dma.local @!p0 [hbm:s10], $0x80  }
0xd8: {  	s0 =	smul.u32 $0xA000, s0;
	s1 =	simm.s32 @!p0 $0x2  }
0xd9: {  	_ =	swait.ge @!p0 [sflag:s1], $0x80  }
0xda: {  	s0 =	sshrl.u32 s0, $0x2;
	[sflag:s1] =	ssyncset.done @!p0 $0x0  }
0xdb: {  	s0 =	sadd.s32 s0, s4;
	[sflag:s1] =	ssyncadd.s32 @!p0 $0xFFFFFF80  }
0xdc: {  	[spmem:s0] =	stream.indirect.scatter.add.f32 [tilespmem:s18], [sflag:$0x2], $0x80, s24, s23, $0xb8;
	[tilespmem:$0x1E080] =	vst v63  }
0xdd: {  	_ =	swait.ge [sflag:s14], $0x2800  }
0xde: {  	[sflag:s14] =	ssyncset.done $0x0  }
0xdf: {  	[sflag:s14] =	ssyncadd.s32 $0xFFFFD800  }
0xe0: {  	[bflag:$0x0] =	sbarrier.arrive $0xFFFF  }
0xe1: {  	[tilespmem:s25], [sflag:$0x2] =	stream.linear.gather [spmem:s0], $0x2800, $0x38;
	[tilespmem:$0x1E080] =	vst v63  }
0xe2: {  	_ =	swait.ge [sflag:s14], $0x2800  }
0xe3: {  	[sflag:s14] =	ssyncset.done $0x0  }
0xe4: {  	s31 =	simm.s32 $0x0;
	[sflag:s14] =	ssyncadd.s32 $0xFFFFD800  }
0xe5: {  	[tilespmem:s18], [sflag:$0x1] =	stream.linear.gather [hbm4b:s3+s31], $0x2800, $0x38;
	[tilespmem:$0x1E080] =	vst v63  }
0xe6: {  	[tilespmem:$0x1DA80] =	vst v5  }
0xe7: {  	[tilespmem:$0x1DA90] =	vst v5  }
0xe8: {  	[tilespmem:$0x1DAA0] =	vst v5  }
0xe9: {  	[tilespmem:$0x1DAB0] =	vst v5  }
0xea: {  	[tilespmem:$0x1DAC0] =	vst v5  }
0xeb: {  	[tilespmem:$0x1DAD0] =	vst v5  }
0xec: {  	[tilespmem:$0x1DAE0] =	vst v5  }
0xed: {  	[tilespmem:$0x1DAF0] =	vst v5  }
0xee: {  	[tilespmem:$0x1DB00] =	vst v5  }
0xef: {  	[tilespmem:$0x1DB10] =	vst v5  }
0xf0: {  	[tilespmem:$0x1DB20] =	vst v5  }
0xf1: {  	[tilespmem:$0x1DB30] =	vst v5  }
0xf2: {  	s12 =	sand.u32 $0xFE00, s31;
	[tilespmem:$0x1DB40] =	vst v5  }
0xf3: {  	s2 =	simm.s32 $0x30;
	s0 =	sshrl.u32 s12, $0x2;
	[tilespmem:$0x1DB50] =	vst v5  }
0xf4: {  	s7 =	simm.s32 $0x0;
	s13 =	sand.u32 $0x70, s2;
	s0 =	sadd.s32 $0x18900, s0;
	[tilespmem:$0x1DB60] =	vst v5  }
0xf5: {  	s8 =	simm.s32 $0x10;
	s15 =	sand.u32 $0x40, s7;
	s5 =	sor.u32 s13, s0;
	[tilespmem:$0x1DB70] =	vst v5;
	v9 =	vld [tilespmem:$0x1DA00]  }
0xf6: {  	s11 =	sand.u32 $0x50, s8;
	s12 =	simm.s32 $0x20;
	s15 =	sor.u32 s15, s0;
	v10 =	vld [tilespmem:s5+$0x0]  }
0xf7: {  	s20 =	simm.s32 $0x100;
	s17 =	sand.u32 $0x60, s12;
	s1 =	sor.u32 s11, s0;
	v11 =	vld [tilespmem:s15+$0x0]  }
0xf8: {  	v12 =	vor.u32 s8, v0;
	s8 =	sor.u32 s17, s0;
	s0 =	sand.u32 $0xFE00, s20;
	s20 =	simm.s32 $0x40;
	v15 =	vld [tilespmem:s1+$0x0]  }
0xf9: {  	v13 =	vor.u32 s7, v0;
	v14 =	vor.u32 s12, v0;
	v18 =	vor.u32 s20, v0;
	v16 =	vld [tilespmem:s8+$0x0]  }
0xfa: {  	vm0 =	veq.s32 v13, v9;
	vm1 =	veq.s32 v12, v9;
	v12 =	vor.u32 s2, v0  }
0xfb: {  	vm2 =	veq.s32 v14, v9;
	vm8 =	veq.s32 v18, v9;
	v13 =	vsel vm0, $0x3E19999A, v6  }
0xfc: {  	s0 =	sshrl.u32 s0, $0x2;
	s2 =	simm.s32 $0x70;
	vm7 =	veq.s32 v12, v9;
	v10 =	vmul.f32 $8.500000230e-01, v10;
	v12 =	vsel vm1, $0x3E19999A, v6  }
0xfd: {  	s7 =	sadd.s32 $0x18900, s0;
	v17 =	vsel vm2, $0x3E19999A, v6;
	v11 =	vmul.f32 $8.500000230e-01, v11;
	s17 =	sand.u32 $0x70, s2;
	v14 =	vsel vm7, $0x3E19999A, v6  }
0xfe: {  	s21 =	simm.s32 $0x50;
	v16 =	vmul.f32 $8.500000230e-01, v16;
	s11 =	sor.u32 s17, s7;
	s17 =	simm.s32 $0x60;
	v10 =	vsub.f32 v10, v14;
	v14 =	vmul.f32 $8.500000230e-01, v15  }
0xff: {  	v13 =	vsub.f32 v11, v13;
	v15 =	vor.u32 s21, v0;
	v20 =	vor.u32 s17, v0  }
0x100: {  	v19 =	vld [tilespmem:s11+$0x0];
	v16 =	vsub.f32 v16, v17;
	v17 =	vor.u32 s2, v0;
	vm9 =	veq.s32 v15, v9  }
0x101: {  	s0 =	sand.u32 $0x50, s21;
	s21 =	sand.u32 $0x60, s17;
	s17 =	simm.s32 $0x200;
	vm10 =	veq.s32 v20, v9;
	v15 =	vsel vm8, $0x3E19999A, v6;
	vm11 =	veq.s32 v17, v9  }
0x102: {  	s13 =	sand.u32 $0x40, s20;
	s0 =	sor.u32 s0, s7;
	s2 =	sand.u32 $0xFE00, s17;
	v11 =	vand.u32 $0x7FFFFFFF, v10;
	v20 =	vsel vm9, $0x3E19999A, v6;
	v22 =	vsel vm10, $0x3E19999A, v6  }
0x103: {  	s12 =	sor.u32 s13, s7;
	v18 =	vld [tilespmem:s0+$0x0];
	v12 =	vsub.f32 v14, v12;
	v24 =	vsel vm11, $0x3E19999A, v6;
	s20 =	sshrl.u32 s2, $0x2;
	v11 =	vshrl.u32 v11, $0x17  }
0x104: {  	s7 =	sor.u32 s21, s7;
	v14 =	vand.u32 $0x7FFFFFFF, v13;
	v25 =	vand.u32 $0x7FFFFFFF, v16;
	s13 =	sadd.s32 $0x18900, s20;
	s20 =	simm.s32 $0x80;
	v21 =	vxor.u32 $0xFF, v11;
	v11 =	vld [tilespmem:s12+$0x0]  }
0x105: {  	v23 =	vld [tilespmem:s7+$0x0];
	[tilespmem:s15+$0x0] =	vst v13;
	v14 =	vshrl.u32 v14, $0x17;
	v13 =	vor.u32 s20, v0;
	v17 =	vmul.f32 $8.500000230e-01, v19  }
0x106: {  	v27 =	vxor.u32 $0xFF, v14;
	v19 =	vand.u32 $0x7FFFFFFF, v12;
	vm12 =	veq.s32 v13, v9  }
0x107: {  	s17 =	simm.s32 $0x90;
	s2 =	simm.s32 $0xB0;
	v19 =	vshrl.u32 v19, $0x17;
	v24 =	vsub.f32 v17, v24;
	v17 =	vshrl.u32 v25, $0x17  }
0x108: {  	[tilespmem:s5+$0x0] =	vst v10;
	s21 =	sand.u32 $0x70, s2;
	v25 =	vmul.f32 $8.500000230e-01, v18;
	v10 =	vxor.u32 $0xFF, v17;
	v17 =	vor.u32 s17, v0  }
0x109: {  	s5 =	sor.u32 s21, s13;
	v26 =	vmul.f32 $8.500000230e-01, v11;
	v11 =	vxor.u32 $0xFF, v19;
	v14 =	vand.u32 $0x7FFFFFFF, v24;
	[tilespmem:v21+s26+$0x0] =	vst.idx.add.s32.msk $0xffff, v7  }
0x10a: {  	s20 =	sand.u32 $0x40, s20;
	v19 =	vmul.f32 $8.500000230e-01, v23;
	v21 =	vld [tilespmem:s5+$0x0];
	vm13 =	veq.s32 v17, v9;
	v14 =	vshrl.u32 v14, $0x17  }
0x10b: {  	s15 =	simm.s32 $0xA0;
	s21 =	sand.u32 $0x50, s17;
	[tilespmem:s1+$0x0] =	vst v12;
	s17 =	sor.u32 s20, s13;
	v12 =	vsel vm13, $0x3E19999A, v6;
	v15 =	vsub.f32 v26, v15;
	v26 =	vxor.u32 $0xFF, v14  }
0x10c: {  	[tilespmem:s8+$0x0] =	vst v16;
	s1 =	sor.u32 s21, s13;
	v17 =	vld [tilespmem:s17+$0x0];
	v14 =	vor.u32 s15, v0;
	v19 =	vsub.f32 v19, v22;
	v22 =	vor.u32 s2, v0  }
0x10d: {  	v18 =	vld [tilespmem:s1+$0x0];
	s15 =	sand.u32 $0x60, s15;
	vm14 =	veq.s32 v14, v9;
	[tilespmem:s12+$0x0] =	vst v15;
	v23 =	vand.u32 $0x7FFFFFFF, v15;
	v15 =	vsub.f32 v25, v20  }
0x10e: {  	[tilespmem:v27+s26+$0x0] =	vst.idx.add.s32.msk $0xffff, v7;
	v14 =	vsel vm12, $0x3E19999A, v6;
	s15 =	sor.u32 s15, s13;
	vm15 =	veq.s32 v22, v9;
	v13 =	vsel vm14, $0x3E19999A, v6  }
0x10f: {  	[tilespmem:s11+$0x0] =	vst v24;
	s11 =	simm.s32 $0x300;
	v16 =	vld [tilespmem:s15+$0x0];
	v20 =	vshrl.u32 v23, $0x17;
	v23 =	vmul.f32 $8.500000230e-01, v21;
	v21 =	vand.u32 $0x7FFFFFFF, v15  }
0x110: {  	s8 =	simm.s32 $0x8;
	v24 =	vsel vm15, $0x3E19999A, v6;
	v22 =	vand.u32 $0x7FFFFFFF, v19;
	[tilespmem:v26+s26+$0x0] =	vst.idx.add.s32.msk $0xffff, v7;
	v21 =	vshrl.u32 v21, $0x17  }
.LBB2_6:
0x111: {  	s12 =	sand.u32 $0xFE00, s11;
	s8 =	sadd.s32 $0x4, s8;
	v17 =	vmul.f32 $8.500000230e-01, v17;
	v23 =	vsub.f32 v23, v24;
	v22 =	vshrl.u32 v22, $0x17;
	[tilespmem:v11+s26+$0x0] =	vst.idx.add.s32.msk $0xffff, v7;
	s2 =	sadd.s32 $0x40, s2  }
0x112: {  	v25 =	vxor.u32 $0xFF, v20;
	v11 =	vxor.u32 $0xFF, v21;
	s12 =	sshrl.u32 s12, $0x2;
	p2 =	slt.u32 s8, $0x27C;
	v24 =	vmul.f32 $8.500000230e-01, v18;
	[tilespmem:s7+$0x0] =	vst v19;
	s13 =	sand.u32 $0x70, s2  }
0x113: {  	s7 =	sadd.s32 $0x18900, s12;
	s12 =	sadd.s32 $0xFFFFFFE0, s2;
	v19 =	vsub.f32 v17, v14;
	v14 =	vand.u32 $0x7FFFFFFF, v23;
	[tilespmem:v10+s26+$0x0] =	vst.idx.add.s32.msk $0xffff, v7;
	v10 =	vxor.u32 $0xFF, v22  }
0x114: {  	s20 =	sadd.s32 $0xFFFFFFD0, s2;
	s21 =	sadd.s32 $0xFFFFFFF0, s2;
	v16 =	vmul.f32 $8.500000230e-01, v16;
	v17 =	vor.u32 s12, v0;
	s13 =	sor.u32 s13, s7;
	v14 =	vshrl.u32 v14, $0x17;
	[tilespmem:s0+$0x0] =	vst v15  }
0x115: {  	v18 =	vor.u32 s21, v0;
	s0 =	sand.u32 $0x40, s20;
	v15 =	vor.u32 s20, v0;
	s12 =	sand.u32 $0x50, s12;
	s20 =	sand.u32 $0x60, s21;
	v21 =	vld [tilespmem:s13+$0x0];
	[tilespmem:s17+$0x0] =	vst v19;
	v22 =	vxor.u32 $0xFF, v14  }
0x116: {  	vm2 =	veq.s32 v18, v9;
	s17 =	sor.u32 s0, s7;
	vm0 =	veq.s32 v15, v9;
	s12 =	sor.u32 s12, s7;
	vm1 =	veq.s32 v17, v9;
	s20 =	sor.u32 s20, s7  }
.Ltmp4:
0x117: {  	v26 =	vsel vm2, $0x3E19999A, v6;
	s0 =	smov.u32 s1;
	v14 =	vsel vm0, $0x3E19999A, v6;
	v20 =	vsel vm1, $0x3E19999A, v6;
	s1 =	smov.u32 s12;
	v17 =	vld [tilespmem:s17+$0x0];
	(pc) =	sbr.rel @p2 .LBB2_6-.Ltmp4, $4  }
0x118: {  	v27 =	vand.u32 $0x7FFFFFFF, v19;
	v15 =	vsub.f32 v24, v12;
	v19 =	vsub.f32 v16, v13;
	s7 =	smov.u32 s15;
	v13 =	vmovc v26;
	s15 =	smov.u32 s20;
	v12 =	vmovc v20;
	v18 =	vld [tilespmem:s1+$0x0]  }
0x119: {  	v24 =	vor.u32 s2, v0;
	v20 =	vshrl.u32 v27, $0x17;
	v16 =	vld [tilespmem:s15+$0x0];
	[tilespmem:s5+$0x0] =	vst v23;
	s5 =	smov.u32 s13  }
0x11a: {  	vm0 =	veq.s32 v24, v9;
	v23 =	vmul.f32 $8.500000230e-01, v21;
	v21 =	vand.u32 $0x7FFFFFFF, v15;
	[tilespmem:v22+s26+$0x0] =	vst.idx.add.s32.msk $0xffff, v7  }
0x11b: {  	s11 =	sadd.s32 $0x100, s11;
	v24 =	vsel vm0, $0x3E19999A, v6;
	v22 =	vand.u32 $0x7FFFFFFF, v19;
	v21 =	vshrl.u32 v21, $0x17;
	[tilespmem:v25+s26+$0x0] =	vst.idx.add.s32.msk $0xffff, v7  }
0x11c: {  	_ =	sdelay $0x1  }
0x11d: {  	v9 =	vsub.f32 v23, v24;
	_ =	sdelay $0x1  }
0x11e: {  	[tilespmem:v11+s26+$0x0] =	vst.idx.add.s32.msk $0xffff, v7;
	v23 =	vand.u32 $0x7FFFFFFF, v9  }
0x11f: {  	v17 =	vmul.f32 $8.500000230e-01, v17;
	[tilespmem:s7+$0x0] =	vst v19;
	v59 =	vxor.u32 $0xFF, v20;
	v11 =	vshrl.u32 v23, $0x17  }
0x120: {  	[tilespmem:v10+s26+$0x0] =	vst.idx.add.s32.msk $0xffff, v7;
	v18 =	vmul.f32 $8.500000230e-01, v18;
	v11 =	vxor.u32 $0xFF, v11  }
0x121: {  	v10 =	vxor.u32 $0xFF, v21;
	[tilespmem:s0+$0x0] =	vst v15;
	v14 =	vsub.f32 v17, v14;
	v16 =	vmul.f32 $8.500000230e-01, v16  }
0x122: {  	[tilespmem:s5+$0x0] =	vst v9;
	v12 =	vsub.f32 v18, v12  }
0x123: {  	v60 =	vshrl.u32 v22, $0x17;
	[tilespmem:s17+$0x0] =	vst v14;
	v14 =	vand.u32 $0x7FFFFFFF, v14;
	v13 =	vsub.f32 v16, v13  }
0x124: {  	v15 =	vxor.u32 $0xFF, v60;
	v9 =	vshrl.u32 v14, $0x17;
	v61 =	vand.u32 $0x7FFFFFFF, v12;
	[tilespmem:v59+s26+$0x0] =	vst.idx.add.s32.msk $0xffff, v7  }
0x125: {  	v62 =	vand.u32 $0x7FFFFFFF, v13;
	v9 =	vxor.u32 $0xFF, v9;
	[tilespmem:v11+s26+$0x0] =	vst.idx.add.s32.msk $0xffff, v7;
	v11 =	vshrl.u32 v61, $0x17  }
0x126: {  	[tilespmem:v10+s26+$0x0] =	vst.idx.add.s32.msk $0xffff, v7;
	v14 =	vshrl.u32 v62, $0x17;
	v10 =	vxor.u32 $0xFF, v11  }
0x127: {  	[tilespmem:s1+$0x0] =	vst v12;
	v11 =	vxor.u32 $0xFF, v14  }
0x128: {  	[tilespmem:s15+$0x0] =	vst v13  }
0x129: {  	[tilespmem:v15+s26+$0x0] =	vst.idx.add.s32.msk $0xffff, v7  }
0x12a: {  	[tilespmem:v9+s26+$0x0] =	vst.idx.add.s32.msk $0xffff, v7  }
0x12b: {  	[tilespmem:v10+s26+$0x0] =	vst.idx.add.s32.msk $0xffff, v7  }
0x12c: {  	s21 =	simm.s32 $0x0;
	[tilespmem:v11+s26+$0x0] =	vst.idx.add.s32.msk $0xffff, v7  }
0x12d: {  	v9 =	vld [tilespmem:s21+$0x1DA80];
	_ =	sdelay $0x4  }
0x12e: {  	(xrf0) =	vadd.scan.msk.s32 $0xffff, v9;
	_ =	sdelay $0x5  }
0x12f: {  	v10, _, _ =	vpop (xrf0)  }
0x130: {  	v10 =	vadd.s32 s31, v10  }
0x131: {  	vm0 =	vlt.s32 v10, $0x100;
	v10 =	vxor.u32 $0x80000000, v10  }
0x132: {  	v9 =	vnsel vm0, $0x0, v9;
	(xrf0) =	vmax.scan.msk.u32 $0xffff, v10  }
0x133: {  	(xrf0) =	vadd.scan.msk.s32 $0xffff, v9;
	_ =	sdelay $0x4  }
0x134: {  	v10, _, _ =	vpop (xrf0)  }
0x135: {  	v63, _, _ =	vpop (xrf0);
	(v2sf) =	vpush v10, $0xF  }
0x136: {  	v9 =	vmpcnt.ones.xlane vm0;
	(v2sf) =	vpush v63, $0xF  }
0x137: {  	v11 =	vimm.s32 $0x0  }
0x138: {  	s0 =	simm.s32 $0x40;
	s1 =	simm.s32 $0x80;
	v9 =	vadd.s32 v11, v9  }
.LBB2_8:
0x139: {  	p2 =	sne.s32 s1, $0x3C0;
	s2 =	sshra.s32 s0, $0x2;
	s0 =	smov.u32 s1  }
0x13a: {  	v10 =	vld [tilespmem:s2+$0x1DA80];
	_ =	sdelay $0x4  }
0x13b: {  	(xrf0) =	vadd.scan.msk.s32 $0xffff, v10;
	_ =	sdelay $0x4  }
0x13c: {  	s2 =	spop (v2sf)  }
0x13d: {  	v11, _, _ =	vpop (xrf0);
	s2 =	sxor.u32 $0x80000000, s2;
	s5 =	spop (v2sf)  }
0x13e: {  	v11 =	vadd.s32 s2, v11;
	s31 =	sadd.s32 s31, s5  }
0x13f: {  	vm0 =	vlt.s32 v11, $0x100;
	v11 =	vxor.u32 $0x80000000, v11  }
0x140: {  	v12 =	vmpcnt.ones.xlane vm0;
	v10 =	vnsel vm0, $0x0, v10;
	(xrf0) =	vmax.scan.msk.u32 $0xffff, v11  }
0x141: {  	(xrf0) =	vadd.scan.msk.s32 $0xffff, v10  }
0x142: {  	v9 =	vadd.s32 v9, v12;
	_ =	sdelay $0x3  }
.Ltmp5:
0x143: {  	v10, _, _ =	vpop (xrf0);
	(pc) =	sbr.rel @p2 .LBB2_8-.Ltmp5, $3  }
0x144: {  	v11, _, _ =	vpop (xrf0);
	(v2sf) =	vpush v10, $0xF  }
0x145: {  	(v2sf) =	vpush v11, $0xF;
	_ =	sdelay $0x1  }
0x146: {  	s1 =	sadd.s32 $0x40, s1  }
0x147: {  	s0 =	sshra.s32 s0, $0x2  }
0x148: {  	v10 =	vld [tilespmem:s0+$0x1DA80];
	_ =	sdelay $0x4  }
0x149: {  	(xrf0) =	vadd.scan.msk.s32 $0xffff, v10;
	_ =	sdelay $0x4  }
0x14a: {  	s20 =	spop (v2sf)  }
0x14b: {  	v11, _, _ =	vpop (xrf0);
	s0 =	sxor.u32 $0x80000000, s20  }
0x14c: {  	v11 =	vadd.s32 s0, v11  }
0x14d: {  	vm0 =	vlt.s32 v11, $0x100  }
0x14e: {  	v12 =	vmpcnt.ones.xlane vm0  }
0x14f: {  	v11 =	vxor.u32 $0x80000000, v11  }
0x150: {  	v13 =	vnsel vm0, $0x0, v10;
	(xrf0) =	vmax.scan.msk.u32 $0xffff, v11;
	v10 =	vadd.s32 v9, v12  }
0x151: {  	(xrf0) =	vadd.scan.msk.s32 $0xffff, v13;
	v9 =	vsub.s32 $0x800000FF, v10  }
0x152: {  	(xrf0) =	vmax.scan.msk.u32 $0xffff, v9;
	_ =	sdelay $0x3  }
0x153: {  	v9, _, _ =	vpop (xrf0)  }
0x154: {  	v11, _, _ =	vpop (xrf0);
	(v2sf) =	vpush v9, $0xF  }
0x155: {  	(v2sf) =	vpush v11, $0xF;
	v9, _, _ =	vpop (xrf0)  }
0x156: {  	(v2sf) =	vpush v9, $0xF;
	_ =	sdelay $0xb  }
0x157: {  	s21 =	spop (v2sf)  }
0x158: {  	s1 =	spop (v2sf)  }
0x159: {  	s1 =	spop (v2sf)  }
0x15a: {  	s2 =	spop (v2sf)  }
0x15b: {  	p2 =	slt.u32 s2, $0x80000001  }
.Ltmp6:
0x15c: {  	_ = 	snop;
	(pc) =	sbr.rel @p2 .LBB2_40-.Ltmp6, $3  }
0x15d: {  	_ =	sdelay $0x1  }
0x15e: {  	s0 =	sadd.s32 s31, s21  }
0x15f: {  	v9 =	vimm.s32 $0x1;
	s0 =	sadd.s32 s0, s1  }
0x160: {  	s1 =	simm.s32 $0x0  }
0x161: {  	s2 =	sand.u32 $0xFE00, s1  }
0x162: {  	s1 =	sand.u32 $0x40, s1;
	s2 =	sshrl.u32 s2, $0x2  }
0x163: {  	s1 =	sor.u32 s1, s2  }
0x164: {  	s2 =	sadd.s32 $0x18900, s1;
	v9 =	vld [tilespmem:s1+$0x18900]  }
0x165: {  	v12 =	vld [tilespmem:s2+$0x30]  }
0x166: {  	v14 =	vld [tilespmem:s2+$0x10];
	_ =	sdelay $0x2  }
0x167: {  	v13 =	vmov s0;
	v17 =	vld [tilespmem:s2+$0x20]  }
0x168: {  	v11 =	vsub.s32 $0xFF, v10;
	v10 =	vsub.s32 $0x100, v13;
	v16 =	vand.u32 $0x7FFFFFFF, v12  }
0x169: {  	v13 =	vand.u32 $0x7FFFFFFF, v9;
	v15 =	vand.u32 $0x7FFFFFFF, v14;
	v9 =	vshrl.u32 v16, $0x17  }
0x16a: {  	v12 =	vshrl.u32 v13, $0x17;
	v14 =	vshrl.u32 v15, $0x17;
	vm1 =	veq.s32 v9, v11  }
0x16b: {  	vm3 =	veq.s32 v12, v11;
	vm0 =	veq.s32 v14, v11;
	v9 =	vsel vm1, $0x1, v5  }
0x16c: {  	s0 =	simm.s32 $0x100;
	v14 =	vand.u32 $0x7FFFFFFF, v17;
	v18 =	vsel vm3, $0x1, v5;
	v12 =	vsel vm0, $0x1, v5;
	(xrf0) =	vadd.scan.msk.s32 $0xffff, v9  }
0x16d: {  	s31 =	sand.u32 $0xFE00, s0;
	s1 =	simm.s32 $0x40;
	v17 =	vshrl.u32 v14, $0x17;
	v19 =	vmpcnt.ones.xlane vm0;
	v9 =	vmpcnt.ones.xlane vm3;
	(xrf0) =	vadd.scan.msk.s32 $0xffff, v12  }
0x16e: {  	s5 =	sand.u32 $0x40, s1;
	s2 =	sshrl.u32 s31, $0x2;
	v21 =	vmpcnt.ones.xlane vm1;
	vm2 =	veq.s32 v17, v11;
	v17 =	vimm.s32 $0x0;
	(xrf0) =	vadd.scan.msk.s32 $0xffff, v18  }
0x16f: {  	s2 =	sor.u32 s5, s2;
	v20 =	vsel vm2, $0x1, v5;
	v9 =	vadd.s32 v17, v9;
	v18 =	vmpcnt.ones.xlane vm2  }
0x170: {  	s5 =	sadd.s32 $0x18900, s2;
	v23 =	vld [tilespmem:s2+$0x18900];
	v22 =	vsel vm1, $0xFFFFFFFF, v5;
	(xrf0) =	vadd.scan.msk.s32 $0xffff, v20;
	v20 =	vsel vm0, $0xFFFFFFFF, v5;
	v19 =	vadd.s32 v9, v19  }
0x171: {  	v24 =	vld [tilespmem:s5+$0x30];
	vm3 =	vmmov vm3;
	v18 =	vadd.s32 v19, v18;
	v20 =	vadd.s32 v20, v9  }
0x172: {  	v26 =	vld [tilespmem:s5+$0x10];
	v22 =	vadd.s32 v22, v18;
	v9 =	vadd.s32 v18, v21;
	v18 =	vsel vm3, $0xFFFFFFFF, v5;
	v25, _, _ =	vpop (xrf0)  }
0x173: {  	vm2 =	vmmov vm2;
	v17 =	vadd.s32 v18, v17;
	v21, _, _ =	vpop (xrf0)  }
0x174: {  	v22 =	vadd.s32 v25, v22;
	v25 =	vsel vm2, $0xFFFFFFFF, v5;
	v21 =	vadd.s32 v21, v20;
	v20, _, _ =	vpop (xrf0)  }
0x175: {  	v20 =	vadd.s32 v20, v17;
	v17 =	vadd.s32 v25, v19;
	v25 =	vld [tilespmem:s5+$0x20]  }
0x176: {  	v12 =	vbroadcast v10, $0x0;
	v18 =	vand.u32 $0x7FFFFFFF, v23  }
0x177: {  	v23 =	vand.u32 $0x7FFFFFFF, v24;
	v24 =	vand.u32 $0x7FFFFFFF, v26;
	v27 =	vshrl.u32 v18, $0x17;
	v19, _, _ =	vpop (xrf0)  }
0x178: {  	s2 =	simm.s32 $0x4;
	v26 =	vshrl.u32 v23, $0x17;
	vm4 =	veq.s32 v27, v11;
	v19 =	vadd.s32 v19, v17;
	v17 =	vmovc v9  }
.LBB2_11:
0x179: {  	s2 =	sadd.s32 $0x4, s2;
	v27 =	vmpcnt.ones.xlane vm4;
	v28 =	vshrl.u32 v24, $0x17;
	[tilespmem:v22+s28+$0x0] =	vst.idx.msk vm1, v16;
	vm1 =	veq.s32 v26, v11;
	v16 =	vmovc v23  }
0x17a: {  	v22 =	vand.u32 $0x7FFFFFFF, v25;
	p2 =	slt.u32 s2, $0x27C;
	v23 =	vsel vm1, $0x1, v5;
	[tilespmem:v21+s28+$0x0] =	vst.idx.msk vm0, v15;
	vm0 =	veq.s32 v28, v11;
	v15 =	vmovc v24  }
0x17b: {  	s0 =	sadd.s32 $0x100, s0;
	v24 =	vshrl.u32 v22, $0x17;
	v9 =	vadd.s32 v9, v27;
	v21 =	vsel vm0, $0x1, v5;
	(xrf0) =	vadd.scan.msk.s32 $0xffff, v23  }
0x17c: {  	s1 =	sadd.s32 $0x40, s1;
	s5 =	sand.u32 $0xFE00, s0;
	v23 =	vsel vm4, $0x1, v5;
	vm5 =	veq.s32 v24, v11;
	(xrf0) =	vadd.scan.msk.s32 $0xffff, v21;
	[tilespmem:v20+s28+$0x0] =	vst.idx.msk vm3, v13;
	v13 =	vmovc v18  }
0x17d: {  	s7 =	sand.u32 $0x40, s1;
	s5 =	sshrl.u32 s5, $0x2;
	v18 =	vmpcnt.ones.xlane vm0;
	v20 =	vsel vm5, $0x1, v5;
	v21 =	vmpcnt.ones.xlane vm5;
	(xrf0) =	vadd.scan.msk.s32 $0xffff, v23  }
0x17e: {  	s5 =	sor.u32 s7, s5;
	v23 =	vsel vm0, $0xFFFFFFFF, v5;
	(xrf0) =	vadd.scan.msk.s32 $0xffff, v20;
	[tilespmem:v19+s28+$0x0] =	vst.idx.msk vm2, v14;
	v14 =	vmovc v22;
	vm2 =	vmmov vm5  }
0x17f: {  	s7 =	sadd.s32 $0x18900, s5;
	v20 =	vadd.s32 v23, v9;
	v23 =	vadd.s32 v9, v18;
	v9 =	vmpcnt.ones.xlane vm1;
	v19 =	vld [tilespmem:s5+$0x18900]  }
0x180: {  	vm3 =	vmmov vm4;
	v22 =	vadd.s32 v23, v21;
	v21 =	vsel vm1, $0xFFFFFFFF, v5;
	v24 =	vld [tilespmem:s7+$0x30]  }
0x181: {  	v21 =	vadd.s32 v21, v22;
	v9 =	vadd.s32 v22, v9;
	v26 =	vld [tilespmem:s7+$0x10];
	v18, _, _ =	vpop (xrf0)  }
.Ltmp7:
0x182: {  	v27 =	vsel vm3, $0xFFFFFFFF, v5;
	v25 =	vld [tilespmem:s7+$0x20];
	v22 =	vadd.s32 v18, v21;
	v18, _, _ =	vpop (xrf0);
	(pc) =	sbr.rel @p2 .LBB2_11-.Ltmp7, $4  }
0x183: {  	v29 =	vadd.s32 v27, v17;
	v27 =	vsel vm2, $0xFFFFFFFF, v5;
	v21 =	vadd.s32 v18, v20;
	v20, _, _ =	vpop (xrf0)  }
0x184: {  	v28 =	vadd.s32 v27, v23;
	v18 =	vand.u32 $0x7FFFFFFF, v19;
	v20 =	vadd.s32 v20, v29;
	v19, _, _ =	vpop (xrf0)  }
0x185: {  	v17 =	vmovc v9;
	v27 =	vshrl.u32 v18, $0x17;
	v23 =	vand.u32 $0x7FFFFFFF, v24;
	v19 =	vadd.s32 v19, v28  }
0x186: {  	vm4 =	veq.s32 v27, v11;
	v24 =	vand.u32 $0x7FFFFFFF, v26;
	v26 =	vshrl.u32 v23, $0x17  }
0x187: {  	v27 =	vshrl.u32 v24, $0x17;
	v25 =	vand.u32 $0x7FFFFFFF, v25  }
0x188: {  	v28 =	vmpcnt.ones.xlane vm4;
	vm5 =	veq.s32 v27, v11;
	v44 =	vshrl.u32 v25, $0x17  }
0x189: {  	vm7 =	veq.s32 v44, v11;
	v45 =	vmpcnt.ones.xlane vm5  }
0x18a: {  	vm6 =	veq.s32 v26, v11;
	v46 =	vadd.s32 v9, v28;
	v9 =	vmpcnt.ones.xlane vm7  }
0x18b: {  	v47 =	vmpcnt.ones.xlane vm6;
	v27 =	vadd.s32 v46, v45  }
0x18c: {  	v29 =	vadd.s32 v27, v9  }
0x18d: {  	v9 =	vadd.s32 v29, v47  }
0x18e: {  	v30 =	vsel vm6, $0x1, v5;
	v28 =	vadd.s32 $0xF, v9  }
0x18f: {  	(xrf0) =	vadd.scan.msk.s32 $0xffff, v30;
	v31 =	vand.u32 $0xF, v28;
	v49 =	vshra.s32 v28, $0x1F  }
0x190: {  	vm9 =	vlt.s32 v28, $0x1;
	vm8 =	vne.s32 v31, $0x0;
	v31 =	vshrl.u32 v49, $0x1C  }
0x191: {  	v48 =	vsel vm5, $0x1, v5;
	vm8 =	vmand vm9, vm8;
	v28 =	vadd.s32 v31, v28  }
0x192: {  	v50 =	vsel vm4, $0x1, v5;
	(xrf0) =	vadd.scan.msk.s32 $0xffff, v48;
	v52 =	vsel vm8, $0xFFFFFFFF, v5;
	v28 =	vshra.s32 v28, $0x4  }
0x193: {  	v51 =	vsel vm7, $0x1, v5;
	(xrf0) =	vadd.scan.msk.s32 $0xffff, v50;
	v28 =	vadd.s32 v52, v28  }
0x194: {  	(xrf0) =	vadd.scan.msk.s32 $0xffff, v51;
	v28 =	vxor.u32 $0x80000000, v28  }
0x195: {  	v54, _, _ =	vpop (xrf0);
	(xrf0) =	vmax.scan.msk.u32 $0xffff, v28;
	_ =	sdelay $0x2  }
0x196: {  	vm15 =	vmmov vm4;
	v53 =	vsel vm6, $0xFFFFFFFF, v5;
	v57, _, _ =	vpop (xrf0)  }
0x197: {  	v56 =	vsel vm15, $0xFFFFFFFF, v5;
	v55 =	vsel vm5, $0xFFFFFFFF, v5;
	v29 =	vadd.s32 v53, v29;
	v61, _, _ =	vpop (xrf0)  }
0x198: {  	vm7 =	vmmov vm7;
	v26 =	vadd.s32 v55, v46;
	v29 =	vadd.s32 v54, v29;
	v63, _, _ =	vpop (xrf0)  }
0x199: {  	[tilespmem:v19+s28+$0x0] =	vst.idx.msk vm2, v14;
	v58 =	vadd.s32 v56, v17;
	v60 =	vsel vm7, $0xFFFFFFFF, v5;
	v59 =	vadd.s32 v57, v26;
	v14, _, _ =	vpop (xrf0)  }
0x19a: {  	[tilespmem:v21+s28+$0x0] =	vst.idx.msk vm0, v15;
	v62 =	vadd.s32 v60, v27;
	v15 =	vadd.s32 v61, v58;
	(v2sf) =	vpush v14, $0xF  }
0x19b: {  	[tilespmem:v20+s28+$0x0] =	vst.idx.msk vm3, v13;
	v13 =	vadd.s32 v63, v62  }
0x19c: {  	[tilespmem:v22+s28+$0x0] =	vst.idx.msk vm1, v16  }
0x19d: {  	[tilespmem:v29+s28+$0x0] =	vst.idx.msk vm6, v23  }
0x19e: {  	[tilespmem:v59+s28+$0x0] =	vst.idx.msk vm5, v24  }
0x19f: {  	[tilespmem:v15+s28+$0x0] =	vst.idx.msk vm15, v18  }
0x1a0: {  	[tilespmem:v13+s28+$0x0] =	vst.idx.msk vm7, v25  }
0x1a1: {  	[tilespmem:$0x1DA80] =	vst v5  }
0x1a2: {  	[tilespmem:$0x1DA90] =	vst v5  }
0x1a3: {  	[tilespmem:$0x1DAA0] =	vst v5  }
0x1a4: {  	[tilespmem:$0x1DAB0] =	vst v5  }
0x1a5: {  	[tilespmem:$0x1DAC0] =	vst v5  }
0x1a6: {  	[tilespmem:$0x1DAD0] =	vst v5  }
0x1a7: {  	[tilespmem:$0x1DAE0] =	vst v5  }
0x1a8: {  	[tilespmem:$0x1DAF0] =	vst v5  }
0x1a9: {  	[tilespmem:$0x1DB00] =	vst v5;
	s0 =	spop (v2sf)  }
0x1aa: {  	[tilespmem:$0x1DB10] =	vst v5;
	s31 =	sxor.u32 $0x80000000, s0  }
0x1ab: {  	[tilespmem:$0x1DB20] =	vst v5;
	p2 =	slt.s32 s31, $0x1  }
.Ltmp8:
0x1ac: {  	[tilespmem:$0x1DB30] =	vst v5;
	(pc) =	sbr.rel @p2 .LBB2_19-.Ltmp8, $4  }
0x1ad: {  	[tilespmem:$0x1DB40] =	vst v5  }
0x1ae: {  	[tilespmem:$0x1DB50] =	vst v5  }
0x1af: {  	[tilespmem:$0x1DB60] =	vst v5  }
0x1b0: {  	[tilespmem:$0x1DB70] =	vst v5  }
0x1b1: {  	p4 =	sne.s32 s31, $0x1  }
.Ltmp9:
0x1b2: {  	_ = 	snop;
	(pc) =	sbr.rel @!p4 .LBB2_14-.Ltmp9, $3  }
0x1b3: {  	_ =	sdelay $0x1  }
0x1b4: {  	s1 =	simm.s32 $0x1B100  }
0x1b5: {  	s0 =	simm.s32 $0x0;
	p3 =	por $0x0, $0x0;
	v13 =	vld [tilespmem:s1+$0x0];
	s1 =	sadd.s32 $0xFFFFFFFF, s31  }
0x1b6: {  	_ =	sdelay $0x2  }
0x1b7: {  	v14 =	vmov s0  }
0x1b8: {  	v14 =	vsub.s32 v9, v14;
	v15 =	vshrl.u32 v13, $0x17  }
0x1b9: {  	vm0 =	vgt.s32 v14, v0;
	v13 =	vxor.u32 $0xFFFFFFFF, v13;
	vm1 =	veq.s32 v15, v11  }
0x1ba: {  	v13 =	vshrl.u32 v13, $0xF;
	vm0 =	vmand vm0, vm1  }
0x1bb: {  	v13 =	vand.u32 $0xFF, v13  }
0x1bc: {  	p4 =	sne.s32 s1, $0x1  }
.Ltmp10:
0x1bd: {  	_ = 	snop;
	(pc) =	sbr.rel @!p4 .LBB2_16-.Ltmp10, $3  }
0x1be: {  	_ =	sdelay $0x1  }
0x1bf: {  	s2 =	simm.s32 $0x1B110;
	[tilespmem:v13+s26+$0x0] =	vst.idx.add.s32.msk vm0, v7  }
0x1c0: {  	s5 =	sadd.s32 $0xFFFFFFFF, s1;
	p3 =	por $0x1, $0x1;
	s1 =	simm.s32 $0x0;
	v13 =	vld [tilespmem:s2+$0x0]  }
.LBB2_17:
0x1c1: {  	p4 =	sne.s32 s5, $0x1;
	_ =	sdelay $0x1  }
0x1c2: {  	s1 =	sadd.s32 $0x10, s1  }
0x1c3: {  	v14 =	vmov s1  }
0x1c4: {  	v14 =	vsub.s32 v9, v14;
	v15 =	vshrl.u32 v13, $0x17  }
0x1c5: {  	vm0 =	vgt.s32 v14, v0;
	v13 =	vxor.u32 $0xFFFFFFFF, v13;
	vm1 =	veq.s32 v15, v11  }
0x1c6: {  	v13 =	vshrl.u32 v13, $0xF;
	vm0 =	vmand vm0, vm1  }
0x1c7: {  	v13 =	vand.u32 $0xFF, v13;
	_ =	sdelay $0x1  }
.Ltmp11:
0x1c8: {  	(pc) =	sbr.rel @p4 .LBB2_17-.Ltmp11, $3  }
0x1c9: {  	_ =	sdelay $0x1  }
0x1ca: {  	s2 =	sadd.s32 $0x10, s2;
	[tilespmem:v13+s26+$0x0] =	vst.idx.add.s32.msk vm0, v7  }
0x1cb: {  	s5 =	sadd.s32 $0xFFFFFFFF, s5;
	v13 =	vld [tilespmem:s2+$0x0]  }
.LBB2_18:
0x1cc: {  	_ = 	snop  }
0x1cd: {  	s1 =	sadd.s32 @p3 $0x10, s1  }
0x1ce: {  	s0 =	smov.u32 @p3 s1  }
0x1cf: {  	v14 =	vmov s0  }
0x1d0: {  	v14 =	vsub.s32 v9, v14;
	v15 =	vshrl.u32 v13, $0x17  }
0x1d1: {  	vm0 =	vgt.s32 v14, v0;
	v13 =	vxor.u32 $0xFFFFFFFF, v13;
	vm1 =	veq.s32 v15, v11  }
0x1d2: {  	v13 =	vshrl.u32 v13, $0xF;
	vm0 =	vmand vm0, vm1  }
0x1d3: {  	v13 =	vand.u32 $0xFF, v13;
	_ =	sdelay $0x4  }
0x1d4: {  	[tilespmem:v13+s26+$0x0] =	vst.idx.add.s32.msk vm0, v7  }
.LBB2_19:
0x1d5: {  	s0 =	simm.s32 $0x0  }
0x1d6: {  	v13 =	vld [tilespmem:s0+$0x1DA80];
	_ =	sdelay $0x4  }
0x1d7: {  	(xrf0) =	vadd.scan.msk.s32 $0xffff, v13;
	_ =	sdelay $0x5  }
0x1d8: {  	s0 =	simm.s32 $0x0;
	v14, _, _ =	vpop (xrf0)  }
0x1d9: {  	v14 =	vadd.s32 s0, v14  }
0x1da: {  	vm0 =	vlt.s32 v14, v12;
	v14 =	vxor.u32 $0x80000000, v14  }
0x1db: {  	v13 =	vnsel vm0, $0x0, v13;
	(xrf0) =	vmax.scan.msk.u32 $0xffff, v14  }
0x1dc: {  	(xrf0) =	vadd.scan.msk.s32 $0xffff, v13;
	_ =	sdelay $0x4  }
0x1dd: {  	v14, _, _ =	vpop (xrf0)  }
0x1de: {  	v16, _, _ =	vpop (xrf0);
	(v2sf) =	vpush v14, $0xF  }
0x1df: {  	v13 =	vmpcnt.ones.xlane vm0;
	(v2sf) =	vpush v16, $0xF  }
0x1e0: {  	v15 =	vimm.s32 $0x0  }
0x1e1: {  	s1 =	simm.s32 $0x40;
	s2 =	simm.s32 $0x80;
	v13 =	vadd.s32 v15, v13  }
.LBB2_20:
0x1e2: {  	p3 =	sne.s32 s2, $0x3C0;
	s5 =	sshra.s32 s1, $0x2;
	s1 =	smov.u32 s2  }
0x1e3: {  	v14 =	vld [tilespmem:s5+$0x1DA80];
	_ =	sdelay $0x4  }
0x1e4: {  	(xrf0) =	vadd.scan.msk.s32 $0xffff, v14;
	_ =	sdelay $0x4  }
0x1e5: {  	s5 =	spop (v2sf)  }
0x1e6: {  	v15, _, _ =	vpop (xrf0);
	s5 =	sxor.u32 $0x80000000, s5;
	s7 =	spop (v2sf)  }
0x1e7: {  	v15 =	vadd.s32 s5, v15;
	s0 =	sadd.s32 s0, s7  }
0x1e8: {  	vm0 =	vlt.s32 v15, v12;
	v15 =	vxor.u32 $0x80000000, v15  }
0x1e9: {  	v16 =	vmpcnt.ones.xlane vm0;
	v14 =	vnsel vm0, $0x0, v14;
	(xrf0) =	vmax.scan.msk.u32 $0xffff, v15  }
0x1ea: {  	(xrf0) =	vadd.scan.msk.s32 $0xffff, v14  }
0x1eb: {  	v13 =	vadd.s32 v13, v16;
	_ =	sdelay $0x3  }
.Ltmp12:
0x1ec: {  	v14, _, _ =	vpop (xrf0);
	(pc) =	sbr.rel @p3 .LBB2_20-.Ltmp12, $3  }
0x1ed: {  	v15, _, _ =	vpop (xrf0);
	(v2sf) =	vpush v14, $0xF  }
0x1ee: {  	(v2sf) =	vpush v15, $0xF;
	_ =	sdelay $0x1  }
0x1ef: {  	s2 =	sadd.s32 $0x40, s2  }
0x1f0: {  	s1 =	sshra.s32 s1, $0x2  }
0x1f1: {  	v14 =	vld [tilespmem:s1+$0x1DA80];
	_ =	sdelay $0x4  }
0x1f2: {  	(xrf0) =	vadd.scan.msk.s32 $0xffff, v14;
	_ =	sdelay $0x4  }
0x1f3: {  	s17 =	spop (v2sf)  }
0x1f4: {  	v15, _, _ =	vpop (xrf0);
	s1 =	sxor.u32 $0x80000000, s17  }
0x1f5: {  	v15 =	vadd.s32 s1, v15  }
0x1f6: {  	vm0 =	vlt.s32 v15, v12;
	v62 =	vxor.u32 $0x80000000, v15  }
0x1f7: {  	v14 =	vnsel vm0, $0x0, v14;
	(xrf0) =	vmax.scan.msk.u32 $0xffff, v62  }
0x1f8: {  	(xrf0) =	vadd.scan.msk.s32 $0xffff, v14;
	_ =	sdelay $0x4  }
0x1f9: {  	v12, _, _ =	vpop (xrf0)  }
0x1fa: {  	v14, _, _ =	vpop (xrf0);
	(v2sf) =	vpush v12, $0xF  }
0x1fb: {  	(v2sf) =	vpush v14, $0xF  }
0x1fc: {  	[tilespmem:$0x1DA80] =	vst v5  }
0x1fd: {  	[tilespmem:$0x1DA90] =	vst v5  }
0x1fe: {  	[tilespmem:$0x1DAA0] =	vst v5  }
0x1ff: {  	[tilespmem:$0x1DAB0] =	vst v5  }
0x200: {  	[tilespmem:$0x1DAC0] =	vst v5  }
0x201: {  	[tilespmem:$0x1DAD0] =	vst v5  }
0x202: {  	[tilespmem:$0x1DAE0] =	vst v5  }
0x203: {  	[tilespmem:$0x1DAF0] =	vst v5  }
0x204: {  	[tilespmem:$0x1DB00] =	vst v5  }
0x205: {  	[tilespmem:$0x1DB10] =	vst v5  }
0x206: {  	[tilespmem:$0x1DB20] =	vst v5  }
.Ltmp13:
0x207: {  	[tilespmem:$0x1DB30] =	vst v5;
	v63 =	vmpcnt.ones.xlane vm0;
	(pc) =	sbr.rel @p2 .LBB2_28-.Ltmp13, $4  }
0x208: {  	[tilespmem:$0x1DB40] =	vst v5;
	s20 =	spop (v2sf)  }
0x209: {  	v11 =	vshll.u32 v11, $0x8;
	[tilespmem:$0x1DB50] =	vst v5;
	v12 =	vadd.s32 v13, v63;
	s2 =	spop (v2sf)  }
0x20a: {  	[tilespmem:$0x1DB60] =	vst v5;
	s0 =	sadd.s32 s0, s20;
	v11 =	vsub.s32 v11, v12;
	s21 =	spop (v2sf)  }
0x20b: {  	[tilespmem:$0x1DB70] =	vst v5;
	v11 =	vadd.s32 $0xFF, v11;
	s0 =	sadd.s32 s0, s21  }
0x20c: {  	p4 =	sne.s32 s31, $0x1  }
.Ltmp14:
0x20d: {  	_ = 	snop;
	(pc) =	sbr.rel @!p4 .LBB2_23-.Ltmp14, $3  }
0x20e: {  	_ =	sdelay $0x1  }
0x20f: {  	s2 =	simm.s32 $0x1B100  }
0x210: {  	s1 =	simm.s32 $0x0;
	p3 =	por $0x0, $0x0;
	v12 =	vld [tilespmem:s2+$0x0];
	s2 =	sadd.s32 $0xFFFFFFFF, s31  }
0x211: {  	_ =	sdelay $0x2  }
0x212: {  	v13 =	vmov s1  }
0x213: {  	v13 =	vsub.s32 v9, v13;
	v14 =	vshrl.u32 v12, $0xF  }
0x214: {  	vm0 =	vgt.s32 v13, v0;
	v12 =	vxor.u32 $0xFFFFFFFF, v12;
	vm1 =	veq.s32 v14, v11  }
0x215: {  	v12 =	vshrl.u32 v12, $0x7;
	vm0 =	vmand vm0, vm1  }
0x216: {  	v12 =	vand.u32 $0xFF, v12  }
0x217: {  	p4 =	sne.s32 s2, $0x1  }
.Ltmp15:
0x218: {  	_ = 	snop;
	(pc) =	sbr.rel @!p4 .LBB2_25-.Ltmp15, $3  }
0x219: {  	_ =	sdelay $0x1  }
0x21a: {  	s5 =	simm.s32 $0x1B110;
	[tilespmem:v12+s26+$0x0] =	vst.idx.add.s32.msk vm0, v7  }
0x21b: {  	s7 =	sadd.s32 $0xFFFFFFFF, s2;
	p3 =	por $0x1, $0x1;
	s2 =	simm.s32 $0x0;
	v12 =	vld [tilespmem:s5+$0x0]  }
.LBB2_26:
0x21c: {  	p4 =	sne.s32 s7, $0x1;
	_ =	sdelay $0x1  }
0x21d: {  	s2 =	sadd.s32 $0x10, s2  }
0x21e: {  	v13 =	vmov s2  }
0x21f: {  	v13 =	vsub.s32 v9, v13;
	v14 =	vshrl.u32 v12, $0xF  }
0x220: {  	vm0 =	vgt.s32 v13, v0;
	v12 =	vxor.u32 $0xFFFFFFFF, v12;
	vm1 =	veq.s32 v14, v11  }
0x221: {  	v12 =	vshrl.u32 v12, $0x7;
	vm0 =	vmand vm0, vm1  }
0x222: {  	v12 =	vand.u32 $0xFF, v12;
	_ =	sdelay $0x1  }
.Ltmp16:
0x223: {  	(pc) =	sbr.rel @p4 .LBB2_26-.Ltmp16, $3  }
0x224: {  	_ =	sdelay $0x1  }
0x225: {  	s5 =	sadd.s32 $0x10, s5;
	[tilespmem:v12+s26+$0x0] =	vst.idx.add.s32.msk vm0, v7  }
0x226: {  	s7 =	sadd.s32 $0xFFFFFFFF, s7;
	v12 =	vld [tilespmem:s5+$0x0]  }
.LBB2_27:
0x227: {  	_ = 	snop  }
0x228: {  	s2 =	sadd.s32 @p3 $0x10, s2  }
0x229: {  	s1 =	smov.u32 @p3 s2  }
0x22a: {  	v13 =	vmov s1  }
0x22b: {  	v13 =	vsub.s32 v9, v13;
	v14 =	vshrl.u32 v12, $0xF  }
0x22c: {  	vm0 =	vgt.s32 v13, v0;
	v63 =	vxor.u32 $0xFFFFFFFF, v12;
	vm1 =	veq.s32 v14, v11  }
0x22d: {  	v12 =	vshrl.u32 v63, $0x7;
	vm0 =	vmand vm0, vm1  }
0x22e: {  	v12 =	vand.u32 $0xFF, v12;
	_ =	sdelay $0x4  }
0x22f: {  	[tilespmem:v12+s26+$0x0] =	vst.idx.add.s32.msk vm0, v7  }
.LBB2_28:
0x230: {  	s1 =	simm.s32 $0x0  }
0x231: {  	v12 =	vld [tilespmem:s1+$0x1DA80];
	_ =	sdelay $0x4  }
0x232: {  	(xrf0) =	vadd.scan.msk.s32 $0xffff, v12;
	_ =	sdelay $0x3  }
0x233: {  	v13 =	vmov s0  }
0x234: {  	v10 =	vsub.s32 v10, v13  }
0x235: {  	s0 =	simm.s32 $0x0;
	v13 =	vbroadcast v10, $0x0;
	v14, _, _ =	vpop (xrf0)  }
0x236: {  	v14 =	vadd.s32 s0, v14  }
0x237: {  	vm0 =	vlt.s32 v14, v13;
	v14 =	vxor.u32 $0x80000000, v14  }
0x238: {  	v12 =	vnsel vm0, $0x0, v12;
	(xrf0) =	vmax.scan.msk.u32 $0xffff, v14  }
0x239: {  	(xrf0) =	vadd.scan.msk.s32 $0xffff, v12;
	_ =	sdelay $0x4  }
0x23a: {  	v14, _, _ =	vpop (xrf0)  }
0x23b: {  	v16, _, _ =	vpop (xrf0);
	(v2sf) =	vpush v14, $0xF  }
0x23c: {  	v12 =	vmpcnt.ones.xlane vm0;
	(v2sf) =	vpush v16, $0xF  }
0x23d: {  	v15 =	vimm.s32 $0x0  }
0x23e: {  	s2 =	simm.s32 $0x80;
	s1 =	simm.s32 $0x40;
	v12 =	vadd.s32 v15, v12  }
.LBB2_29:
0x23f: {  	p3 =	sne.s32 s2, $0x3C0;
	s5 =	sshra.s32 s1, $0x2;
	s1 =	smov.u32 s2  }
0x240: {  	v14 =	vld [tilespmem:s5+$0x1DA80];
	_ =	sdelay $0x4  }
0x241: {  	(xrf0) =	vadd.scan.msk.s32 $0xffff, v14;
	_ =	sdelay $0x4  }
0x242: {  	s5 =	spop (v2sf)  }
0x243: {  	v15, _, _ =	vpop (xrf0);
	s5 =	sxor.u32 $0x80000000, s5;
	s7 =	spop (v2sf)  }
0x244: {  	v15 =	vadd.s32 s5, v15;
	s0 =	sadd.s32 s0, s7  }
0x245: {  	vm0 =	vlt.s32 v15, v13;
	v15 =	vxor.u32 $0x80000000, v15  }
0x246: {  	v16 =	vmpcnt.ones.xlane vm0;
	v14 =	vnsel vm0, $0x0, v14;
	(xrf0) =	vmax.scan.msk.u32 $0xffff, v15  }
0x247: {  	(xrf0) =	vadd.scan.msk.s32 $0xffff, v14  }
0x248: {  	v12 =	vadd.s32 v12, v16;
	_ =	sdelay $0x3  }
.Ltmp17:
0x249: {  	v14, _, _ =	vpop (xrf0);
	(pc) =	sbr.rel @p3 .LBB2_29-.Ltmp17, $3  }
0x24a: {  	v15, _, _ =	vpop (xrf0);
	(v2sf) =	vpush v14, $0xF  }
0x24b: {  	(v2sf) =	vpush v15, $0xF;
	_ =	sdelay $0x1  }
0x24c: {  	s2 =	sadd.s32 $0x40, s2  }
0x24d: {  	s1 =	sshra.s32 s1, $0x2  }
0x24e: {  	v14 =	vld [tilespmem:s1+$0x1DA80];
	_ =	sdelay $0x4  }
0x24f: {  	(xrf0) =	vadd.scan.msk.s32 $0xffff, v14;
	_ =	sdelay $0x4  }
0x250: {  	s17 =	spop (v2sf)  }
0x251: {  	v15, _, _ =	vpop (xrf0);
	s1 =	sxor.u32 $0x80000000, s17  }
0x252: {  	v15 =	vadd.s32 s1, v15  }
0x253: {  	vm0 =	vlt.s32 v15, v13;
	v62 =	vxor.u32 $0x80000000, v15  }
0x254: {  	v14 =	vnsel vm0, $0x0, v14;
	(xrf0) =	vmax.scan.msk.u32 $0xffff, v62  }
0x255: {  	(xrf0) =	vadd.scan.msk.s32 $0xffff, v14;
	_ =	sdelay $0x4  }
0x256: {  	v13, _, _ =	vpop (xrf0)  }
0x257: {  	v14, _, _ =	vpop (xrf0);
	(v2sf) =	vpush v13, $0xF  }
0x258: {  	(v2sf) =	vpush v14, $0xF  }
0x259: {  	[tilespmem:$0x1DA80] =	vst v5  }
0x25a: {  	[tilespmem:$0x1DA90] =	vst v5  }
0x25b: {  	[tilespmem:$0x1DAA0] =	vst v5  }
0x25c: {  	[tilespmem:$0x1DAB0] =	vst v5  }
0x25d: {  	[tilespmem:$0x1DAC0] =	vst v5  }
0x25e: {  	[tilespmem:$0x1DAD0] =	vst v5  }
0x25f: {  	[tilespmem:$0x1DAE0] =	vst v5  }
0x260: {  	[tilespmem:$0x1DAF0] =	vst v5  }
0x261: {  	[tilespmem:$0x1DB00] =	vst v5  }
0x262: {  	[tilespmem:$0x1DB10] =	vst v5  }
0x263: {  	[tilespmem:$0x1DB20] =	vst v5  }
.Ltmp18:
0x264: {  	[tilespmem:$0x1DB30] =	vst v5;
	v63 =	vmpcnt.ones.xlane vm0;
	(pc) =	sbr.rel @p2 .LBB2_37-.Ltmp18, $4  }
0x265: {  	[tilespmem:$0x1DB40] =	vst v5;
	s20 =	spop (v2sf)  }
0x266: {  	v11 =	vshll.u32 v11, $0x8;
	[tilespmem:$0x1DB50] =	vst v5;
	v12 =	vadd.s32 v12, v63;
	s2 =	spop (v2sf)  }
0x267: {  	[tilespmem:$0x1DB60] =	vst v5;
	s0 =	sadd.s32 s0, s20;
	v11 =	vsub.s32 v11, v12;
	s21 =	spop (v2sf)  }
0x268: {  	[tilespmem:$0x1DB70] =	vst v5;
	v11 =	vadd.s32 $0xFF, v11;
	s0 =	sadd.s32 s0, s21  }
0x269: {  	p3 =	sne.s32 s31, $0x1  }
.Ltmp19:
0x26a: {  	_ = 	snop;
	(pc) =	sbr.rel @!p3 .LBB2_32-.Ltmp19, $3  }
0x26b: {  	_ =	sdelay $0x1  }
0x26c: {  	s2 =	simm.s32 $0x1B100  }
0x26d: {  	s1 =	simm.s32 $0x0;
	p2 =	por $0x0, $0x0;
	v12 =	vld [tilespmem:s2+$0x0];
	s2 =	sadd.s32 $0xFFFFFFFF, s31  }
0x26e: {  	_ =	sdelay $0x2  }
0x26f: {  	v13 =	vmov s1  }
0x270: {  	v13 =	vsub.s32 v9, v13;
	v14 =	vshrl.u32 v12, $0x7  }
0x271: {  	vm0 =	vgt.s32 v13, v0;
	vm1 =	veq.s32 v14, v11  }
0x272: {  	v12 =	vand.u32 $0x7F, v12;
	vm0 =	vmand vm0, vm1  }
0x273: {  	v12 =	vxor.u32 $0xFF, v12  }
0x274: {  	p3 =	sne.s32 s2, $0x1  }
.Ltmp20:
0x275: {  	_ = 	snop;
	(pc) =	sbr.rel @!p3 .LBB2_34-.Ltmp20, $3  }
0x276: {  	_ =	sdelay $0x1  }
0x277: {  	s5 =	simm.s32 $0x1B110;
	[tilespmem:v12+s26+$0x0] =	vst.idx.add.s32.msk vm0, v7  }
0x278: {  	s7 =	sadd.s32 $0xFFFFFFFF, s2;
	p2 =	por $0x1, $0x1;
	s2 =	simm.s32 $0x0;
	v12 =	vld [tilespmem:s5+$0x0]  }
.LBB2_35:
0x279: {  	p3 =	sne.s32 s7, $0x1;
	_ =	sdelay $0x1  }
0x27a: {  	s2 =	sadd.s32 $0x10, s2  }
0x27b: {  	v13 =	vmov s2  }
0x27c: {  	v13 =	vsub.s32 v9, v13;
	v14 =	vshrl.u32 v12, $0x7  }
0x27d: {  	vm0 =	vgt.s32 v13, v0;
	vm1 =	veq.s32 v14, v11  }
0x27e: {  	v12 =	vand.u32 $0x7F, v12;
	vm0 =	vmand vm0, vm1  }
0x27f: {  	v12 =	vxor.u32 $0xFF, v12;
	_ =	sdelay $0x1  }
.Ltmp21:
0x280: {  	(pc) =	sbr.rel @p3 .LBB2_35-.Ltmp21, $3  }
0x281: {  	_ =	sdelay $0x1  }
0x282: {  	s5 =	sadd.s32 $0x10, s5;
	[tilespmem:v12+s26+$0x0] =	vst.idx.add.s32.msk vm0, v7  }
0x283: {  	s7 =	sadd.s32 $0xFFFFFFFF, s7;
	v12 =	vld [tilespmem:s5+$0x0]  }
.LBB2_36:
0x284: {  	_ = 	snop  }
0x285: {  	s2 =	sadd.s32 @p2 $0x10, s2  }
0x286: {  	s1 =	smov.u32 @p2 s2  }
0x287: {  	v13 =	vmov s1  }
0x288: {  	v9 =	vsub.s32 v9, v13;
	v63 =	vshrl.u32 v12, $0x7  }
0x289: {  	vm0 =	vgt.s32 v9, v0;
	vm1 =	veq.s32 v63, v11  }
0x28a: {  	v9 =	vand.u32 $0x7F, v12;
	vm0 =	vmand vm0, vm1  }
0x28b: {  	v9 =	vxor.u32 $0xFF, v9;
	_ =	sdelay $0x4  }
0x28c: {  	[tilespmem:v9+s26+$0x0] =	vst.idx.add.s32.msk vm0, v7  }
.LBB2_37:
0x28d: {  	s1 =	simm.s32 $0x0  }
0x28e: {  	v9 =	vld [tilespmem:s1+$0x1DA80];
	_ =	sdelay $0x4  }
0x28f: {  	(xrf0) =	vadd.scan.msk.s32 $0xffff, v9;
	_ =	sdelay $0x5  }
0x290: {  	s31 =	simm.s32 $0x0;
	v9, _, _ =	vpop (xrf0)  }
0x291: {  	v12 =	vadd.s32 s31, v9  }
0x292: {  	v9 =	vxor.u32 $0x80000000, v12  }
0x293: {  	(xrf0) =	vmax.scan.msk.u32 $0xffff, v9;
	_ =	sdelay $0x3  }
0x294: {  	v13 =	vmov s0  }
0x295: {  	v9 =	vsub.s32 v10, v13  }
0x296: {  	v9 =	vbroadcast v9, $0x0;
	v63, _, _ =	vpop (xrf0)  }
0x297: {  	(v2sf) =	vpush v63, $0xF  }
0x298: {  	vm0 =	vlt.s32 v12, v9  }
0x299: {  	v10 =	vmpcnt.ones.xlane vm0  }
0x29a: {  	v62 =	vimm.s32 $0x0  }
0x29b: {  	s0 =	simm.s32 $0x80;
	s1 =	simm.s32 $0x10;
	v10 =	vadd.s32 v62, v10  }
.LBB2_38:
0x29c: {  	p2 =	sne.s32 s0, $0x3C0;
	v12 =	vld [tilespmem:s1+$0x1DA80];
	_ =	sdelay $0x4  }
0x29d: {  	(xrf0) =	vadd.scan.msk.s32 $0xffff, v12;
	_ =	sdelay $0x4  }
0x29e: {  	s1 =	spop (v2sf)  }
0x29f: {  	v12, _, _ =	vpop (xrf0);
	s1 =	sxor.u32 $0x80000000, s1  }
0x2a0: {  	v12 =	vadd.s32 s1, v12  }
0x2a1: {  	vm0 =	vlt.s32 v12, v9;
	v12 =	vxor.u32 $0x80000000, v12  }
0x2a2: {  	v13 =	vmpcnt.ones.xlane vm0;
	(xrf0) =	vmax.scan.msk.u32 $0xffff, v12;
	_ =	sdelay $0x1  }
0x2a3: {  	v10 =	vadd.s32 v10, v13;
	_ =	sdelay $0x3  }
0x2a4: {  	v12, _, _ =	vpop (xrf0)  }
.Ltmp22:
0x2a5: {  	(v2sf) =	vpush v12, $0xF;
	(pc) =	sbr.rel @p2 .LBB2_38-.Ltmp22, $2  }
0x2a6: {  	_ =	sdelay $0x2  }
0x2a7: {  	s1 =	sshra.s32 s0, $0x2;
	s0 =	sadd.s32 $0x40, s0  }
0x2a8: {  	v12 =	vld [tilespmem:s1+$0x1DA80];
	_ =	sdelay $0x4  }
0x2a9: {  	(xrf0) =	vadd.scan.msk.s32 $0xffff, v12;
	_ =	sdelay $0x4  }
0x2aa: {  	s0 =	spop (v2sf)  }
0x2ab: {  	v12, _, _ =	vpop (xrf0);
	s0 =	sxor.u32 $0x80000000, s0  }
0x2ac: {  	v12 =	vadd.s32 s0, v12  }
0x2ad: {  	v13 =	vxor.u32 $0x80000000, v12  }
0x2ae: {  	(xrf0) =	vmax.scan.msk.u32 $0xffff, v13;
	_ =	sdelay $0x5  }
0x2af: {  	v13, _, _ =	vpop (xrf0)  }
0x2b0: {  	(v2sf) =	vpush v13, $0xF;
	_ =	sdelay $0x9  }
0x2b1: {  	vm0 =	vlt.s32 v12, v9  }
0x2b2: {  	v9 =	vmpcnt.ones.xlane vm0;
	_ =	sdelay $0x1  }
0x2b3: {  	v9 =	vadd.s32 v10, v9;
	v10 =	vshll.u32 v11, $0x7  }
0x2b4: {  	v9 =	vsub.s32 v10, v9  }
0x2b5: {  	v9 =	vadd.s32 $0xFF, v9;
	s31 =	spop (v2sf)  }
.LBB2_40:
0x2b6: {  	s0 =	simm.s32 $0x0  }
0x2b7: {  	s1 =	sand.u32 $0xFE00, s0  }
0x2b8: {  	s0 =	simm.s32 $0x30;
	s1 =	sshrl.u32 s1, $0x2  }
0x2b9: {  	s2 =	sand.u32 $0x70, s0;
	s1 =	sadd.s32 $0x18900, s1  }
0x2ba: {  	s5 =	simm.s32 $0x0;
	s2 =	sor.u32 s2, s1  }
0x2bb: {  	s5 =	sand.u32 $0x40, s5;
	v14 =	vld [tilespmem:s2+$0x0]  }
0x2bc: {  	s7 =	simm.s32 $0x10;
	s5 =	sor.u32 s5, s1  }
0x2bd: {  	s31 =	simm.s32 $0x20;
	s7 =	sand.u32 $0x50, s7;
	v12 =	vld [tilespmem:s5+$0x0]  }
0x2be: {  	s7 =	sor.u32 s7, s1;
	s2 =	sand.u32 $0x60, s31  }
0x2bf: {  	v11 =	vld [tilespmem:s7+$0x0];
	s1 =	sor.u32 s2, s1  }
0x2c0: {  	v10 =	vld [tilespmem:s1+$0x0];
	v15 =	vand.u32 $0x80000000, v14;
	v19 =	vand.u32 $0x7FFFFFFF, v14  }
0x2c1: {  	vm0 =	vlt.f32 v14, $0.0e+00;
	vm1 =	vgt.f32 v14, $0.0e+00;
	v16 =	vadd.f32 $-1.499999960e-05, v19  }
0x2c2: {  	v13 =	vand.u32 $0x7FFFFFFF, v12;
	v17 =	vor.u32 v15, v8;
	vm0 =	vmor vm1, vm0  }
0x2c3: {  	v20 =	vand.u32 $0x80000000, v12;
	v18 =	vsel vm0, v17, v14;
	v16 =	vmax.f32 v16, $0.0e+00  }
0x2c4: {  	v15 =	vand.u32 $0x7FFFFFFF, v11;
	vm1 =	vgt.s32 v9, v19;
	v21 =	vmul.f32 v16, v18  }
0x2c5: {  	v17 =	vadd.f32 $-1.499999960e-05, v13;
	v14 =	vand.u32 $0x7FFFFFFF, v10;
	vm0 =	vlt.f32 v12, $0.0e+00  }
0x2c6: {  	s5 =	simm.s32 $0x100;
	s2 =	simm.s32 $0x0;
	s1 =	simm.s32 $0x0;
	v18 =	vadd.f32 $-1.499999960e-05, v15;
	v16 =	vadd.f32 $-1.499999960e-05, v14;
	v19 =	vsel vm1, $0x0, v21  }
.LBB2_41:
0x2c7: {  	s7 =	sand.u32 $0xFE00, s5;
	s2 =	sadd.s32 $0x4, s2;
	vm1 =	vgt.f32 v12, $0.0e+00;
	v21 =	vand.u32 $0x80000000, v11;
	vm2 =	vlt.f32 v11, $0.0e+00;
	[tilespmem:s1+$0x13930] =	vst v19  }
0x2c8: {  	vm3 =	vgt.f32 v11, $0.0e+00;
	v19 =	vand.u32 $0x80000000, v10;
	vm4 =	vlt.f32 v10, $0.0e+00;
	s0 =	sadd.s32 $0x40, s0;
	s7 =	sshrl.u32 s7, $0x2;
	p2 =	slt.u32 s2, $0x27C  }
0x2c9: {  	v20 =	vor.u32 v20, v8;
	s8 =	sadd.s32 $0xFFFFFFE0, s0;
	s11 =	sand.u32 $0x70, s0;
	vm0 =	vmor vm1, vm0;
	vm1 =	vgt.f32 v10, $0.0e+00;
	s7 =	sadd.s32 $0x18900, s7  }
0x2ca: {  	s12 =	sadd.s32 $0xFFFFFFD0, s0;
	s13 =	sadd.s32 $0xFFFFFFF0, s0;
	v21 =	vor.u32 v21, v8;
	vm2 =	vmor vm3, vm2;
	v19 =	vor.u32 v19, v8;
	s11 =	sor.u32 s11, s7  }
0x2cb: {  	v17 =	vmax.f32 v17, $0.0e+00;
	v18 =	vmax.f32 v18, $0.0e+00;
	s12 =	sand.u32 $0x40, s12;
	s8 =	sand.u32 $0x50, s8;
	s13 =	sand.u32 $0x60, s13;
	vm1 =	vmor vm1, vm4;
	v22 =	vld [tilespmem:s11+$0x0]  }
0x2cc: {  	v16 =	vmax.f32 v16, $0.0e+00;
	v20 =	vsel vm0, v20, v12;
	v11 =	vsel vm2, v21, v11;
	s8 =	sor.u32 s8, s7;
	s11 =	sor.u32 s12, s7;
	s7 =	sor.u32 s13, s7  }
0x2cd: {  	v17 =	vmul.f32 v17, v20;
	v18 =	vmul.f32 v18, v11;
	v10 =	vsel vm1, v19, v10;
	v12 =	vld [tilespmem:s11+$0x0]  }
0x2ce: {  	vm0 =	vgt.s32 v9, v13;
	vm1 =	vgt.s32 v9, v15;
	v13 =	vmul.f32 v16, v10;
	v11 =	vld [tilespmem:s8+$0x0]  }
0x2cf: {  	v15 =	vsel vm0, $0x0, v17;
	v16 =	vsel vm1, $0x0, v18;
	vm0 =	vgt.s32 v9, v14;
	v10 =	vld [tilespmem:s7+$0x0]  }
0x2d0: {  	v14 =	vand.u32 $0x80000000, v22;
	v19 =	vand.u32 $0x7FFFFFFF, v22;
	[tilespmem:s1+$0x13900] =	vst v15;
	v15 =	vsel vm0, $0x0, v13  }
0x2d1: {  	vm0 =	vlt.f32 v22, $0.0e+00;
	vm1 =	vgt.f32 v22, $0.0e+00;
	v17 =	vadd.f32 $-1.499999960e-05, v19;
	[tilespmem:s1+$0x13910] =	vst v16  }
.Ltmp23:
0x2d2: {  	v14 =	vor.u32 v14, v8;
	vm0 =	vmor vm1, vm0;
	v13 =	vand.u32 $0x7FFFFFFF, v12;
	[tilespmem:s1+$0x13920] =	vst v15;
	(pc) =	sbr.rel @p2 .LBB2_41-.Ltmp23, $4  }
0x2d3: {  	v16 =	vsel vm0, v14, v22;
	v15 =	vand.u32 $0x7FFFFFFF, v11;
	v18 =	vmax.f32 v17, $0.0e+00  }
0x2d4: {  	v17 =	vadd.f32 $-1.499999960e-05, v13;
	v14 =	vand.u32 $0x7FFFFFFF, v10;
	v21 =	vmul.f32 v18, v16  }
0x2d5: {  	vm1 =	vgt.s32 v9, v19;
	v18 =	vadd.f32 $-1.499999960e-05, v15;
	v16 =	vadd.f32 $-1.499999960e-05, v14  }
0x2d6: {  	v20 =	vand.u32 $0x80000000, v12;
	vm0 =	vlt.f32 v12, $0.0e+00;
	s1 =	sshra.s32 s5, $0x2;
	s5 =	sadd.s32 $0x100, s5;
	v19 =	vsel vm1, $0x0, v21  }
0x2d7: {  	vm1 =	vgt.f32 v12, $0.0e+00  }
0x2d8: {  	v21 =	vand.u32 $0x80000000, v11;
	v20 =	vor.u32 v20, v8;
	vm11 =	vlt.f32 v11, $0.0e+00  }
0x2d9: {  	vm2 =	vgt.f32 v11, $0.0e+00;
	v63 =	vand.u32 $0x80000000, v10;
	vm12 =	vlt.f32 v10, $0.0e+00  }
0x2da: {  	vm3 =	vgt.f32 v10, $0.0e+00;
	v17 =	vmax.f32 v17, $0.0e+00;
	v18 =	vmax.f32 v18, $0.0e+00  }
0x2db: {  	v16 =	vmax.f32 v16, $0.0e+00;
	vm0 =	vmor vm1, vm0;
	v21 =	vor.u32 v21, v8  }
0x2dc: {  	s30 =	sadd.s32 $0x1, s30;
	vm1 =	vmor vm2, vm11;
	v62 =	vsel vm0, v20, v12;
	v20 =	vor.u32 v63, v8  }
0x2dd: {  	p2 =	sne.s32 s30, $0x10;
	vm0 =	vmor vm3, vm12;
	v11 =	vsel vm1, v21, v11;
	v12 =	vmul.f32 v17, v62  }
.Ltmp24:
0x2de: {  	vm13 =	vgt.s32 v9, v13;
	v11 =	vmul.f32 v18, v11;
	v10 =	vsel vm0, v20, v10;
	(pc) =	sbr.rel @p2 .LBB2_2-.Ltmp24, $4  }
.Ltmp25:
0x2df: {  	[tilespmem:s1+$0x13930] =	vst v19;
	vm14 =	vgt.s32 v9, v15;
	v10 =	vmul.f32 v16, v10;
	v12 =	vsel vm13, $0x0, v12;
	(pc) =	sbr.rel @!p2 .LBB2_43-.Ltmp25, $4  }
0x2e0: {  	vm15 =	vgt.s32 v9, v14;
	v11 =	vsel vm14, $0x0, v11;
	[tilespmem:s1+$0x13900] =	vst v12  }
0x2e1: {  	v9 =	vsel vm15, $0x0, v10;
	[tilespmem:s1+$0x13910] =	vst v11  }
0x2e2: {  	[tilespmem:s1+$0x13920] =	vst v9  }
0x2e3: {  	_ = 	snop  }
.LBB2_14:
.Ltmp26:
0x2e4: {  	(pc) =	sbr.rel .LBB2_18-.Ltmp26, $2  }
0x2e5: {  	_ =	sdelay $0x2  }
0x2e6: {  	s1 =	simm.s32 $0x0  }
.LBB2_23:
.Ltmp27:
0x2e7: {  	(pc) =	sbr.rel .LBB2_27-.Ltmp27, $2  }
0x2e8: {  	_ =	sdelay $0x2  }
0x2e9: {  	s2 =	simm.s32 $0x0  }
.LBB2_32:
.Ltmp28:
0x2ea: {  	(pc) =	sbr.rel .LBB2_36-.Ltmp28, $2  }
0x2eb: {  	_ =	sdelay $0x2  }
0x2ec: {  	s2 =	simm.s32 $0x0  }
.LBB2_16:
.Ltmp29:
0x2ed: {  	(pc) =	sbr.rel .LBB2_18-.Ltmp29, $2  }
0x2ee: {  	_ =	sdelay $0x2  }
0x2ef: {  	s1 =	simm.s32 $0x0  }
.LBB2_25:
.Ltmp30:
0x2f0: {  	(pc) =	sbr.rel .LBB2_27-.Ltmp30, $2  }
0x2f1: {  	_ =	sdelay $0x2  }
0x2f2: {  	s2 =	simm.s32 $0x0  }
.LBB2_34:
.Ltmp31:
0x2f3: {  	(pc) =	sbr.rel .LBB2_36-.Ltmp31, $2  }
0x2f4: {  	_ =	sdelay $0x2  }
0x2f5: {  	s2 =	simm.s32 $0x0  }
.LBB2_44:
0x2f6: {  	_ =	sfence.sel $0x180000  }
0x2f7: {  	[bflag:$0x0] =	sbarrier.arrive $0xFFFF  }
0x2f8: {  	_ =	strace $0x90000047  }
0x2f9: {  	s0 =	stileid.u32;
	[bflag:$0x2] =	sbarrier.arrive $0xFFFF  }
0x2fa: {  	p0 =	sne.s32 s0, $0x0;
	s0 =	rddreg [dreg:$0x7]  }
0x2fb: {  	s0 =	sadd.s32 @!p0 $0x100000, s0  }
0x2fc: {  	[sflag:s0] =	ssyncadd.tile.s32 @!p0 $0x1;
	_ =	shalt  }
.Lfunc_end2:
_tile_overlayer_lowered:
.L_overlay_start_2:
0x2fd: {  	(tag) =	ssettag $0x2  }
0x2fe: {  	s0 =	rddreg [dreg:$0x0];
	s2 =	stileid.u32  }
0x2ff: {  	s1 =	rddreg [dreg:$0x1];
	p0 =	sne.s32 s2, $0x0  }
0x300: {  	s3 =	rddreg [dreg:$0x2];
	[bflag:$0x3] =	sbarrier.arrive $0xFFFF;
	s2 =	simm.s32 @!p0 $0x1C02  }
0x301: {  	[timem:s3], [sflag:s2] =	dma.local @!p0 [hbm:s0], s1  }
0x302: {  	s0 =	simm.s32 @!p0 $0x2  }
0x303: {  	_ =	swait.ge @!p0 [sflag:s0], s1  }
0x304: {  	s1 =	ssub.s32 @!p0 $0x0, s1;
	[sflag:s0] =	ssyncset.done @!p0 $0x0  }
0x305: {  	[sflag:s0] =	ssyncadd.s32 @!p0 s1  }
0x306: {  	[bflag:$0x3] =	sbarrier.arrive $0xFFFF  }
0x307: {  	_ =	shalt  }

</sc_bundles>
